<compile_context>
chip_gen: v7x
topology: tpu7x:2x2x1
jax: 0.10.2.dev20260603
libtpu: 0.0.44.dev20260713+nightly
codegen_flags: <defaults>
</compile_context>

<pallas_src>
import functools

import jax
import jax.numpy as jnp
from jax.experimental import pallas as pl
from jax.experimental.pallas import tpu as pltpu
from jax.experimental.pallas import tpu_sc as plsc

_R1, _K1, _M1 = 0.2, 32, 512
_R2, _K2, _M2 = 0.4, 64, 128
_CB1 = 64
_CB2 = 64


def _cumsum_lanes(x):
    n = x.shape[-1]
    s = 1
    while s < n:
        pad = jnp.zeros(x.shape[:-1] + (s,), x.dtype)
        x = x + jnp.concatenate([pad, x[..., : n - s]], axis=-1)
        s *= 2
    return x


def _fps_body(M, xyz_ref, cen_ref, dist_ref):
    B, C, N = xyz_ref.shape
    xs = [xyz_ref[:, c, :] for c in range(C)]
    cen_ref[...] = jnp.zeros((B, C, M), jnp.float32)
    dist_ref[...] = jnp.full((B, N), 1e10, jnp.float32)
    iota_n = jax.lax.broadcasted_iota(jnp.int32, (B, N), 1)
    iota_m = jax.lax.broadcasted_iota(jnp.int32, (B, M), 1)

    def body(i, far):
        oh = (iota_n == far).astype(jnp.float32)
        ohm = (iota_m == i).astype(jnp.float32)
        s = None
        for c in range(C):
            cc = jnp.sum(xs[c] * oh, axis=1, keepdims=True)
            cen_ref[:, c, :] += cc * ohm
            d = xs[c] - cc
            s = d * d if s is None else s + d * d
        nd = jnp.minimum(dist_ref[...], s)
        dist_ref[...] = nd
        m = jnp.max(nd, axis=1, keepdims=True)
        far2 = jnp.min(jnp.where(nd == m, iota_n, N), axis=1, keepdims=True)
        return far2.astype(jnp.int32)

    jax.lax.fori_loop(0, M, body, jnp.zeros((B, 1), jnp.int32))


def _fps(xyzT, M):
    B, C, N = xyzT.shape
    return pl.pallas_call(
        functools.partial(_fps_body, M),
        out_shape=jax.ShapeDtypeStruct((B, C, M), jnp.float32),
        scratch_shapes=[pltpu.VMEM((B, N), jnp.float32)],
    )(xyzT)


def _bq_mlp_body(K, r2, cen_ref, xyzT_ref, feats_ref,
                 w1_ref, w1x_ref, b1_ref, w2_ref, b2_ref, w3_ref, b3_ref,
                 out_ref, fw_ref, sq_ref):
    CB, C = cen_ref.shape[1], cen_ref.shape[2]
    N = xyzT_ref.shape[2]
    xyzT = xyzT_ref[0]

    @pl.when(pl.program_id(1) == 0)
    def _():
        fw_ref[...] = jax.lax.dot_general(
            feats_ref[0], w1_ref[...], (((1,), (0,)), ((), ())),
            preferred_element_type=jnp.float32)
        sq_ref[...] = jnp.sum(xyzT * xyzT, axis=0, keepdims=True)

    cen = cen_ref[0]

    sq = sq_ref[...]
    censq = jnp.sum(cen * cen, axis=1, keepdims=True)
    prod = jax.lax.dot_general(cen, xyzT, (((1,), (0,)), ((), ())),
                               preferred_element_type=jnp.float32)
    dists = censq + sq - 2.0 * prod
    mask = dists <= jnp.float32(r2)
    mi = mask.astype(jnp.int32)
    csum = _cumsum_lanes(mi)
    rr = jnp.where(mask, csum, 0)
    count = csum[:, N - 1:N]

    kio = jax.lax.broadcasted_iota(jnp.int32, (CB, K, N), 1) + 1
    S = (rr[:, None, :] == kio).astype(jnp.float32)
    C1 = fw_ref.shape[1]
    t1 = jax.lax.dot_general(S.reshape(CB * K, N), fw_ref[...],
                             (((1,), (0,)), ((), ())),
                             preferred_element_type=jnp.float32)
    t2 = jax.lax.dot_general(cen, w1x_ref[...], (((1,), (0,)), ((), ())),
                             preferred_element_type=jnp.float32)
    h = t1.reshape(CB, K, C1) - t2[:, None, :] + b1_ref[...][:, None, :]
    h = jnp.maximum(h, 0.0).reshape(CB * K, C1)

    h = jax.lax.dot_general(h, w2_ref[...], (((1,), (0,)), ((), ())),
                            preferred_element_type=jnp.float32) + b2_ref[...]
    h = jnp.maximum(h, 0.0)
    h = jax.lax.dot_general(h, w3_ref[...], (((1,), (0,)), ((), ())),
                            preferred_element_type=jnp.float32) + b3_ref[...]
    h = jnp.maximum(h, 0.0)
    C3 = h.shape[1]
    kio2 = jax.lax.broadcasted_iota(jnp.int32, (CB, K, 1), 1)
    hm = jnp.where(kio2 < count[:, :, None], h.reshape(CB, K, C3), -1e30)
    out_ref[0] = jnp.max(hm, axis=1)


def _bq_mlp(cen, xyzT, feats, w1, w1x, b1, w2, b2, w3, b3, K, r2, CB):
    B, M, C = cen.shape
    N = xyzT.shape[2]
    F = feats.shape[2]
    C1, C2, C3 = w1.shape[1], w2.shape[1], w3.shape[1]
    b1r, b2r, b3r = b1.reshape(1, C1), b2.reshape(1, C2), b3.reshape(1, C3)
    grid = (B, M // CB)
    return pl.pallas_call(
        functools.partial(_bq_mlp_body, K, r2),
        grid=grid,
        in_specs=[
            pl.BlockSpec((1, CB, C), lambda b, j: (b, j, 0)),
            pl.BlockSpec((1, C, N), lambda b, j: (b, 0, 0)),
            pl.BlockSpec((1, N, F), lambda b, j: (b, 0, 0)),
            pl.BlockSpec((F, C1), lambda b, j: (0, 0)),
            pl.BlockSpec((C, C1), lambda b, j: (0, 0)),
            pl.BlockSpec((1, C1), lambda b, j: (0, 0)),
            pl.BlockSpec((C1, C2), lambda b, j: (0, 0)),
            pl.BlockSpec((1, C2), lambda b, j: (0, 0)),
            pl.BlockSpec((C2, C3), lambda b, j: (0, 0)),
            pl.BlockSpec((1, C3), lambda b, j: (0, 0)),
        ],
        out_specs=pl.BlockSpec((1, CB, C3), lambda b, j: (b, j, 0)),
        out_shape=jax.ShapeDtypeStruct((B, M, C3), jnp.float32),
        scratch_shapes=[pltpu.VMEM((N, C1), jnp.float32),
                        pltpu.VMEM((1, N), jnp.float32)],
    )(cen, xyzT, feats, w1, w1x, b1r, w2, b2r, w3, b3r)


def _bq_rank_body(K, r2, cen_ref, xyzT_ref, out_ref, sq_ref):
    CB, C = cen_ref.shape[1], cen_ref.shape[2]
    N = xyzT_ref.shape[2]
    xyzT = xyzT_ref[0]

    @pl.when(pl.program_id(1) == 0)
    def _():
        sq_ref[...] = jnp.sum(xyzT * xyzT, axis=0, keepdims=True)

    cen = cen_ref[0]
    censq = jnp.sum(cen * cen, axis=1, keepdims=True)
    prod = jax.lax.dot_general(cen, xyzT, (((1,), (0,)), ((), ())),
                               preferred_element_type=jnp.float32)
    dists = censq + sq_ref[...] - 2.0 * prod
    mask = dists <= jnp.float32(r2)
    csum = _cumsum_lanes(mask.astype(jnp.int32))
    rr = jnp.where(mask, csum, 0)

    kio = jax.lax.broadcasted_iota(jnp.int32, (CB, K, N), 1) + 1
    ion = jax.lax.broadcasted_iota(jnp.int32, (CB, K, N), 2)
    idxsel = jnp.min(jnp.where(rr[:, None, :] == kio, ion, N), axis=2)
    idx = jnp.where(idxsel < N, idxsel, idxsel[:, 0:1])
    out_ref[0] = idx + pl.program_id(0) * N


def _bq_rank(cen, xyzT, K, r2, CB):
    B, M, C = cen.shape
    N = xyzT.shape[2]
    return pl.pallas_call(
        functools.partial(_bq_rank_body, K, r2),
        grid=(B, M // CB),
        in_specs=[
            pl.BlockSpec((1, CB, C), lambda b, j: (b, j, 0)),
            pl.BlockSpec((1, C, N), lambda b, j: (b, 0, 0)),
        ],
        out_specs=pl.BlockSpec((1, CB, K), lambda b, j: (b, j, 0)),
        out_shape=jax.ShapeDtypeStruct((B, M, K), jnp.int32),
        scratch_shapes=[pltpu.VMEM((1, N), jnp.float32)],
    )(cen, xyzT)


def _fw_body(D, feats_ref, w1_ref, out_ref):
    t = jax.lax.dot_general(
        feats_ref[0], w1_ref[...], (((1,), (0,)), ((), ())),
        preferred_element_type=jnp.float32)
    N, C1 = t.shape
    out_ref[0] = jnp.concatenate(
        [t, jnp.zeros((N, D - C1), jnp.float32)], axis=1)


def _fw(feats, w1, D):
    B, N, F = feats.shape
    C1 = w1.shape[1]
    return pl.pallas_call(
        functools.partial(_fw_body, D),
        grid=(B,),
        in_specs=[
            pl.BlockSpec((1, N, F), lambda b: (b, 0, 0)),
            pl.BlockSpec((F, C1), lambda b: (0, 0)),
        ],
        out_specs=pl.BlockSpec((1, N, D), lambda b: (b, 0, 0)),
        out_shape=jax.ShapeDtypeStruct((B, N, D), jnp.float32),
    )(feats, w1)


def _sc_gather(table, idx):
    R = idx.shape[0]
    D = table.shape[1]
    info = plsc.get_sparse_core_info()
    NW = info.num_cores * info.num_subcores
    per_w = R // NW
    CH = 128
    n_ch = per_w // CH
    mesh = plsc.VectorSubcoreMesh(core_axis_name="c", subcore_axis_name="s")

    @functools.partial(
        pl.kernel, mesh=mesh,
        out_type=jax.ShapeDtypeStruct((R, D), jnp.float32),
        scratch_types=[
            pltpu.VMEM((per_w,), jnp.int32),
            pltpu.VMEM((CH, D), jnp.float32),
            pltpu.SemaphoreType.DMA,
        ],
    )
    def k(table_hbm, idx_hbm, out_hbm, idx_v, rows_v, sem):
        wid = jax.lax.axis_index("s") * info.num_cores + jax.lax.axis_index("c")
        base = wid * per_w
        pltpu.sync_copy(idx_hbm.at[pl.ds(base, per_w)], idx_v)

        def body(t, carry):
            off = pl.multiple_of(t * CH, 8)
            iv = idx_v.at[pl.ds(off, CH)]
            pltpu.async_copy(table_hbm.at[iv], rows_v, sem).wait()
            pltpu.sync_copy(rows_v, out_hbm.at[pl.ds(base + off, CH)])
            return carry

        jax.lax.fori_loop(0, n_ch, body, 0)

    return k(table, idx)


def _mlp_pool_body(K, C1, cen_ref, g_ref, w1x_ref, b1_ref, w2_ref, b2_ref,
                   w3_ref, b3_ref, out_ref):
    CB = cen_ref.shape[1]
    t1 = g_ref[0][:, 0:C1]
    t2 = jax.lax.dot_general(cen_ref[0], w1x_ref[...], (((1,), (0,)), ((), ())),
                             preferred_element_type=jnp.float32)
    h = t1.reshape(CB, K, C1) - t2[:, None, :] + b1_ref[...][:, None, :]
    h = jnp.maximum(h, 0.0).reshape(CB * K, C1)
    h = jax.lax.dot_general(h, w2_ref[...], (((1,), (0,)), ((), ())),
                            preferred_element_type=jnp.float32) + b2_ref[...]
    h = jnp.maximum(h, 0.0)
    h = jax.lax.dot_general(h, w3_ref[...], (((1,), (0,)), ((), ())),
                            preferred_element_type=jnp.float32) + b3_ref[...]
    h = jnp.maximum(h, 0.0)
    C3 = h.shape[1]
    out_ref[0] = jnp.max(h.reshape(CB, K, C3), axis=1)


def _mlp_pool(cen, g, w1x, b1, w2, b2, w3, b3, K, CB):
    B, M, C = cen.shape
    D = g.shape[2]
    C1 = w2.shape[0]
    C2, C3 = w2.shape[1], w3.shape[1]
    b1r, b2r, b3r = b1.reshape(1, C1), b2.reshape(1, C2), b3.reshape(1, C3)
    return pl.pallas_call(
        functools.partial(_mlp_pool_body, K, C1),
        grid=(B, M // CB),
        in_specs=[
            pl.BlockSpec((1, CB, C), lambda b, j: (b, j, 0)),
            pl.BlockSpec((1, CB * K, D), lambda b, j: (b, j, 0)),
            pl.BlockSpec((C, C1), lambda b, j: (0, 0)),
            pl.BlockSpec((1, C1), lambda b, j: (0, 0)),
            pl.BlockSpec((C1, C2), lambda b, j: (0, 0)),
            pl.BlockSpec((1, C2), lambda b, j: (0, 0)),
            pl.BlockSpec((C2, C3), lambda b, j: (0, 0)),
            pl.BlockSpec((1, C3), lambda b, j: (0, 0)),
        ],
        out_specs=pl.BlockSpec((1, CB, C3), lambda b, j: (b, j, 0)),
        out_shape=jax.ShapeDtypeStruct((B, M, C3), jnp.float32),
    )(cen, g, w1x, b1r, w2, b2r, w3, b3r)


def _mlp3_body(B, x_ref, w1_ref, b1_ref, w2_ref, b2_ref, w3_ref, b3_ref,
               out_ref):
    h = x_ref[...]
    h = jnp.maximum(jax.lax.dot_general(h, w1_ref[...], (((1,), (0,)), ((), ())),
                                        preferred_element_type=jnp.float32)
                    + b1_ref[...], 0.0)
    h = jnp.maximum(jax.lax.dot_general(h, w2_ref[...], (((1,), (0,)), ((), ())),
                                        preferred_element_type=jnp.float32)
                    + b2_ref[...], 0.0)
    h = jnp.maximum(jax.lax.dot_general(h, w3_ref[...], (((1,), (0,)), ((), ())),
                                        preferred_element_type=jnp.float32)
                    + b3_ref[...], 0.0)
    P, C3 = h.shape
    out_ref[...] = jnp.max(h.reshape(B, P // B, C3), axis=1)


def _mlp3(x, w1, b1, w2, b2, w3, b3, B):
    P, F = x.shape
    C1, C2, C3 = w1.shape[1], w2.shape[1], w3.shape[1]
    return pl.pallas_call(
        functools.partial(_mlp3_body, B),
        out_shape=jax.ShapeDtypeStruct((B, C3), jnp.float32),
    )(x, w1, b1.reshape(1, C1), w2, b2.reshape(1, C2), w3, b3.reshape(1, C3))


def kernel(points, w10, b10, w11, b11, w12, b12, w20, b20, w21, b21, w22, b22,
           w30, b30, w31, b31, w32, b32):
    B, C, N = points.shape
    xyzT = points

    cen1T = _fps(xyzT, _M1)
    cen1 = jnp.transpose(cen1T, (0, 2, 1))
    xyz_nat = jnp.transpose(points, (0, 2, 1))
    w1eff = w10[0:C, :] + w10[C:2 * C, :]
    D1 = 128
    fw1 = _fw(xyz_nat, w1eff, D1)
    gidx = _bq_rank(cen1, xyzT, K=_K1, r2=_R1 * _R1, CB=_CB1)
    g1 = _sc_gather(fw1.reshape(B * N, D1), gidx.reshape(B * _M1 * _K1))
    f1 = _mlp_pool(cen1, g1.reshape(B, _M1 * _K1, D1), w10[0:C, :], b10,
                   w11, b11, w12, b12, K=_K1, CB=_CB1)

    cen2T = _fps(cen1T, _M2)
    cen2 = jnp.transpose(cen2T, (0, 2, 1))
    feats2 = jnp.concatenate([cen1, f1], axis=-1)
    f2 = _bq_mlp(cen2, cen1T, feats2, w20, w20[0:C, :], b20,
                 w21, b21, w22, b22,
                 K=_K2, r2=_R2 * _R2, CB=_CB2)

    x3 = jnp.concatenate([cen2, f2], axis=-1).reshape(B * _M2, C + 256)
    f3 = _mlp3(x3, w30, b30, w31, b31, w32, b32, B)
    return f1, f2, f3.reshape(B, 1, 1024)

# --- scband reference (transcript-rebuilt; emitter-appended) ---
"""Pipeline reference for scband-pointnet2-75548474737378 (READ-ONLY COPY).

The authoritative reference and input builder live on the scoring server;
editing this copy changes nothing except your own understanding.
"""

import jax, jax.numpy as jnp
import numpy as np

RADIUS1, K1, M1 = 0.2, 32, 512
RADIUS2, K2, M2 = 0.4, 64, 128

def square_distance(a, b):
    return jnp.sum(a * a, -1)[:, :, None] + jnp.sum(b * b, -1)[:, None, :] - 2.0 * jnp.matmul(a, jnp.transpose(b, (0, 2, 1)))

def index_points(x, idx):
    B = x.shape[0]
    if idx.ndim == 2:
        return x[jnp.arange(B)[:, None], idx]
    return x[jnp.arange(B)[:, None, None], idx]

def fps(xyz, M):
    B, N, C = xyz.shape
    def body(i, state):
        centroids, distance, farthest = state
        centroids = centroids.at[:, i].set(farthest)
        centroid = xyz[jnp.arange(B), farthest][:, None, :]
        dist = jnp.sum((xyz - centroid) ** 2, axis=-1)
        distance = jnp.minimum(distance, dist)
        farthest = jnp.argmax(distance, axis=-1).astype(jnp.int32)
        return centroids, distance, farthest
    init = (jnp.zeros((B, M), jnp.int32), jnp.full((B, N), 1e10, jnp.float32), jnp.zeros((B,), jnp.int32))
    centroids, _, _ = jax.lax.fori_loop(0, M, body, init)
    return centroids

def ball_query(xyz, new_xyz, radius, K):
    B, N, C = xyz.shape
    dists = square_distance(new_xyz, xyz)
    idx = jnp.broadcast_to(jnp.arange(N, dtype=jnp.int32), dists.shape)
    idx = jnp.where(dists > radius * radius, N, idx)
    idx = jnp.sort(idx, axis=-1)[:, :, :K]
    first = jnp.where(idx[:, :, :1] == N, 0, idx[:, :, :1])
    idx = jnp.where(idx == N, jnp.broadcast_to(first, idx.shape), idx)
    return idx

def mlp_max(x, params):
    for W, b in params:
        x = jnp.maximum(jnp.matmul(x, W) + b, 0.0)
    return jnp.max(x, axis=2)

def sa_module(xyz, points, M, radius, K, params):
    fidx = fps(xyz, M)
    new_xyz = index_points(xyz, fidx)
    gidx = ball_query(xyz, new_xyz, radius, K)
    grouped_xyz = index_points(xyz, gidx) - new_xyz[:, :, None, :]
    grouped_pts = index_points(points, gidx)
    new_points = jnp.concatenate([grouped_xyz, grouped_pts], axis=-1)
    return new_xyz, mlp_max(new_points, params)

def sa_module_all(xyz, points, params):
    new_xyz = jnp.zeros((xyz.shape[0], 1, xyz.shape[2]), xyz.dtype)
    new_points = jnp.concatenate([xyz, points], axis=-1)[:, None, :, :]
    return new_xyz, mlp_max(new_points, params)

def setup_inputs(seed: int = 0):
    key = jax.random.key(seed)
    ks = jax.random.split(key, 12)
    d = {"points": jax.random.uniform(ks[0], (8, 5, 2048), dtype=jnp.float32)}
    dims = [("1", 10, [64, 64, 128]), ("2", 133, [128, 128, 256]), ("3", 261, [256, 512, 1024])]
    i = 1
    for tag, cin, mlp in dims:
        c = cin
        for j, cout in enumerate(mlp):
            d["w%s%d" % (tag, j)] = jax.random.normal(ks[i], (c, cout), dtype=jnp.float32) * (1.0 / np.sqrt(c))
            d["b%s%d" % (tag, j)] = jnp.zeros((cout,), jnp.float32)
            i += 1
            c = cout
    return d

def reference(points, w10, b10, w11, b11, w12, b12, w20, b20, w21, b21, w22, b22, w30, b30, w31, b31, w32, b32):
    pts = jnp.transpose(points, (0, 2, 1))
    p1 = [(w10, b10), (w11, b11), (w12, b12)]
    p2 = [(w20, b20), (w21, b21), (w22, b22)]
    p3 = [(w30, b30), (w31, b31), (w32, b32)]
    xyz1, f1 = sa_module(pts, pts, M1, RADIUS1, K1, p1)
    xyz2, f2 = sa_module(xyz1, f1, M2, RADIUS2, K2, p2)
    xyz3, f3 = sa_module_all(xyz2, f2, p3)
    return f1, f2, f3

if __name__ == "__main__":
    import jax
    _d = setup_inputs()
    print(jax.jit(kernel)(*tuple(_d.values())))

</pallas_src>

<mosaic_0001>
#map = affine_map<(d0, d1) -> (0, 0)>
#map1 = affine_map<(d0, d1) -> (0)>
module attributes {stable_mosaic.version = 14 : i64} {
  func.func @k(%arg0: i32, %arg1: i32, %arg2: memref<16384x128xf32, #tpu.memory_space<hbm>>, %arg3: memref<131072xi32, #tpu.memory_space<hbm>>, %arg4: memref<131072x128xf32, #tpu.memory_space<hbm>>, %arg5: memref<4096xi32, #tpu.memory_space<vmem>>, %arg6: memref<128x128xf32, #tpu.memory_space<vmem>>, %arg7: memref<!tpu.dma_semaphore, #tpu.memory_space<semaphore_mem>>) attributes {dimension_semantics = [#tpu.dimension_semantics<core_parallel>, #tpu.dimension_semantics<subcore_parallel>], iteration_bounds = array<i64: 2, 16>, scalar_prefetch = 0 : i64, scratch_operands = 3 : i64, tpu.core_type = #tpu.core_type<sc_vector_subcore>, window_params = [{transform_indices = #map}, {transform_indices = #map1}, {transform_indices = #map}]} {
    %mul3A = arith.constant 2 : i32
    %mul3A_0 = arith.muli %arg1, %mul3A : i32
    %add3A = arith.addi %mul3A_0, %arg0 : i32
    %mul3A_1 = arith.constant 4096 : i32
    %mul3A_2 = arith.muli %add3A, %mul3A_1 : i32
    "tpu.region"() ({
      %run_scoped3A = tpu.sem_alloc : memref<!tpu.dma_semaphore, #tpu.memory_space<semaphore_mem>>
      %dma_start3A = tpu.memref_slice %arg3[%mul3A_2] : memref<131072xi32, #tpu.memory_space<hbm>> -> memref<4096xi32, #tpu.memory_space<hbm>>
      %dma_start3A_8 = tpu.memref_slice %arg3[%mul3A_2] : memref<131072xi32, #tpu.memory_space<hbm>> -> memref<4096xi32, #tpu.memory_space<hbm>>
      tpu.enqueue_dma source(%dma_start3A_8 : memref<4096xi32, #tpu.memory_space<hbm>>) target(%arg5 : memref<4096xi32, #tpu.memory_space<vmem>>) target_semaphore(%run_scoped3A : memref<!tpu.dma_semaphore, #tpu.memory_space<semaphore_mem>>)
      %dma_wait3A = tpu.memref_slice %arg3[%mul3A_2] : memref<131072xi32, #tpu.memory_space<hbm>> -> memref<4096xi32, #tpu.memory_space<hbm>>
      %dma_wait3A_9 = tpu.memref_slice %arg3[%mul3A_2] : memref<131072xi32, #tpu.memory_space<hbm>> -> memref<4096xi32, #tpu.memory_space<hbm>>
      tpu.wait_dma2 semaphore(%run_scoped3A : memref<!tpu.dma_semaphore, #tpu.memory_space<semaphore_mem>>) src(%dma_wait3A_9 : memref<4096xi32, #tpu.memory_space<hbm>>) dst(%arg5 : memref<4096xi32, #tpu.memory_space<vmem>>)
      tpu.yield
    }) : () -> ()
    %scan3A = arith.constant 0 : i32
    %scan3A_3 = arith.constant 0 : i32
    %scan3A_4 = arith.constant 32 : i32
    %scan3A_5 = arith.addi %scan3A_3, %scan3A_4 : i32
    %scan3A_6 = arith.constant 1 : i32
    scf.for %scan3A_8 = %scan3A_3 to %scan3A_5 step %scan3A_6  : i32 {
      %mul3A_9 = arith.constant 128 : i32
      %mul3A_10 = arith.muli %scan3A_8, %mul3A_9 : i32
      %multiple_of3A = tpu.assume_multiple %mul3A_10, 8 : i32
      %dma_start3A = tpu.memref_slice %arg5[%multiple_of3A] : memref<4096xi32, #tpu.memory_space<vmem>> -> memref<128xi32, #tpu.memory_space<vmem>>
      %dma_start3A_11 = arith.constant 0 : i32
      %dma_start3A_12 = arith.constant 0 : i32
      %dma_start3A_13 = tpu.memref_slice %arg2[%dma_start3A_11, %dma_start3A_12] : memref<16384x128xf32, #tpu.memory_space<hbm>> -> memref<16384x128xf32, #tpu.memory_space<hbm>>
      tpu.enqueue_indirect_dma source(%dma_start3A_13 : memref<16384x128xf32, #tpu.memory_space<hbm>>) target(%arg6 : memref<128x128xf32, #tpu.memory_space<vmem>>) offsets(%dma_start3A : memref<128xi32, #tpu.memory_space<vmem>>) semaphore(%arg7 : memref<!tpu.dma_semaphore, #tpu.memory_space<semaphore_mem>>)
      %dma_wait3A = tpu.memref_slice %arg5[%multiple_of3A] : memref<4096xi32, #tpu.memory_space<vmem>> -> memref<128xi32, #tpu.memory_space<vmem>>
      %dma_wait3A_14 = arith.constant 0 : i32
      %dma_wait3A_15 = arith.constant 0 : i32
      %dma_wait3A_16 = tpu.memref_slice %arg2[%dma_wait3A_14, %dma_wait3A_15] : memref<16384x128xf32, #tpu.memory_space<hbm>> -> memref<16384x128xf32, #tpu.memory_space<hbm>>
      tpu.wait_indirect_dma semaphore(%arg7 : memref<!tpu.dma_semaphore, #tpu.memory_space<semaphore_mem>>) src(%dma_wait3A_16 : memref<16384x128xf32, #tpu.memory_space<hbm>>) dst(%arg6 : memref<128x128xf32, #tpu.memory_space<vmem>>)
      %add3A_17 = arith.addi %mul3A_2, %multiple_of3A : i32
      "tpu.region"() ({
        %run_scoped3A = tpu.sem_alloc : memref<!tpu.dma_semaphore, #tpu.memory_space<semaphore_mem>>
        %dma_start3A_18 = arith.constant 0 : i32
        %dma_start3A_19 = tpu.memref_slice %arg4[%add3A_17, %dma_start3A_18] : memref<131072x128xf32, #tpu.memory_space<hbm>> -> memref<128x128xf32, #tpu.memory_space<hbm>>
        %dma_start3A_20 = arith.constant 0 : i32
        %dma_start3A_21 = tpu.memref_slice %arg4[%add3A_17, %dma_start3A_20] : memref<131072x128xf32, #tpu.memory_space<hbm>> -> memref<128x128xf32, #tpu.memory_space<hbm>>
        tpu.enqueue_dma source(%arg6 : memref<128x128xf32, #tpu.memory_space<vmem>>) target(%dma_start3A_21 : memref<128x128xf32, #tpu.memory_space<hbm>>) target_semaphore(%run_scoped3A : memref<!tpu.dma_semaphore, #tpu.memory_space<semaphore_mem>>)
        %dma_wait3A_22 = arith.constant 0 : i32
        %dma_wait3A_23 = tpu.memref_slice %arg4[%add3A_17, %dma_wait3A_22] : memref<131072x128xf32, #tpu.memory_space<hbm>> -> memref<128x128xf32, #tpu.memory_space<hbm>>
        %dma_wait3A_24 = arith.constant 0 : i32
        %dma_wait3A_25 = tpu.memref_slice %arg4[%add3A_17, %dma_wait3A_24] : memref<131072x128xf32, #tpu.memory_space<hbm>> -> memref<128x128xf32, #tpu.memory_space<hbm>>
        tpu.wait_dma2 semaphore(%run_scoped3A : memref<!tpu.dma_semaphore, #tpu.memory_space<semaphore_mem>>) src(%arg6 : memref<128x128xf32, #tpu.memory_space<vmem>>) dst(%dma_wait3A_25 : memref<128x128xf32, #tpu.memory_space<hbm>>)
        tpu.yield
      }) : () -> ()
    }
    %scan3A_7 = arith.constant 32 : i32
    return
  }
}

module attributes {stable_mosaic.version = 14 : i64} {
  func.func @_fps_body(%arg0: memref<8x5x2048xf32, #tpu.memory_space<vmem>>, %arg1: memref<8x5x512xf32, #tpu.memory_space<vmem>>, %arg2: memref<8x2048xf32, #tpu.memory_space<vmem>>) attributes {dimension_semantics = [], scalar_prefetch = 0 : i64, scratch_operands = 1 : i64, tpu.core_type = #tpu.core_type<tc>} {
    %get3A = arith.constant 0 : index
    %get3A_0 = arith.constant 0 : index
    %get3A_1 = arith.constant 0 : index
    %get3A_2 = vector.load %arg0[%get3A, %get3A_0, %get3A_1] : memref<8x5x2048xf32, #tpu.memory_space<vmem>>, vector<8x1x2048xf32>
    %get3A_3 = vector.shape_cast %get3A_2 : vector<8x1x2048xf32> to vector<8x2048xf32>
    %get3A_4 = arith.constant 0 : index
    %get3A_5 = arith.constant 1 : index
    %get3A_6 = arith.constant 0 : index
    %get3A_7 = vector.load %arg0[%get3A_4, %get3A_5, %get3A_6] : memref<8x5x2048xf32, #tpu.memory_space<vmem>>, vector<8x1x2048xf32>
    %get3A_8 = vector.shape_cast %get3A_7 : vector<8x1x2048xf32> to vector<8x2048xf32>
    %get3A_9 = arith.constant 0 : index
    %get3A_10 = arith.constant 2 : index
    %get3A_11 = arith.constant 0 : index
    %get3A_12 = vector.load %arg0[%get3A_9, %get3A_10, %get3A_11] : memref<8x5x2048xf32, #tpu.memory_space<vmem>>, vector<8x1x2048xf32>
    %get3A_13 = vector.shape_cast %get3A_12 : vector<8x1x2048xf32> to vector<8x2048xf32>
    %get3A_14 = arith.constant 0 : index
    %get3A_15 = arith.constant 3 : index
    %get3A_16 = arith.constant 0 : index
    %get3A_17 = vector.load %arg0[%get3A_14, %get3A_15, %get3A_16] : memref<8x5x2048xf32, #tpu.memory_space<vmem>>, vector<8x1x2048xf32>
    %get3A_18 = vector.shape_cast %get3A_17 : vector<8x1x2048xf32> to vector<8x2048xf32>
    %get3A_19 = arith.constant 0 : index
    %get3A_20 = arith.constant 4 : index
    %get3A_21 = arith.constant 0 : index
    %get3A_22 = vector.load %arg0[%get3A_19, %get3A_20, %get3A_21] : memref<8x5x2048xf32, #tpu.memory_space<vmem>>, vector<8x1x2048xf32>
    %get3A_23 = vector.shape_cast %get3A_22 : vector<8x1x2048xf32> to vector<8x2048xf32>
    %broadcast_in_dim3A = arith.constant 0.000000e+00 : f32
    %broadcast_in_dim3A_24 = vector.broadcast %broadcast_in_dim3A : f32 to vector<8x5x512xf32>
    %swap3A = arith.constant 0 : index
    %swap3A_25 = arith.constant 0 : index
    %swap3A_26 = arith.constant 0 : index
    %swap3A_27 = vector.load %arg1[%swap3A, %swap3A_25, %swap3A_26] : memref<8x5x512xf32, #tpu.memory_space<vmem>>, vector<8x5x512xf32>
    tpu.vector_store %arg1[%swap3A, %swap3A_25, %swap3A_26], %broadcast_in_dim3A_24 {strides = array<i32>} : memref<8x5x512xf32, #tpu.memory_space<vmem>>, vector<8x5x512xf32>,
    %broadcast_in_dim3A_28 = arith.constant 1.000000e+10 : f32
    %broadcast_in_dim3A_29 = vector.broadcast %broadcast_in_dim3A_28 : f32 to vector<8x2048xf32>
    %swap3A_30 = arith.constant 0 : index
    %swap3A_31 = arith.constant 0 : index
    %swap3A_32 = vector.load %arg2[%swap3A_30, %swap3A_31] : memref<8x2048xf32, #tpu.memory_space<vmem>>, vector<8x2048xf32>
    tpu.vector_store %arg2[%swap3A_30, %swap3A_31], %broadcast_in_dim3A_29 {strides = array<i32>} : memref<8x2048xf32, #tpu.memory_space<vmem>>, vector<8x2048xf32>,
    %iota3A = tpu.iota {dimensions = array<i32: 1>} : vector<8x2048xi32>
    %iota3A_33 = tpu.iota {dimensions = array<i32: 1>} : vector<8x512xi32>
    %broadcast_in_dim3A_34 = arith.constant 0 : i32
    %broadcast_in_dim3A_35 = vector.broadcast %broadcast_in_dim3A_34 : i32 to vector<8x1xi32>
    %scan3A = arith.constant 0 : i32
    %scan3A_36 = arith.constant 512 : i32
    %scan3A_37 = arith.addi %scan3A, %scan3A_36 : i32
    %scan3A_38 = arith.constant 1 : i32
    %scan3A_39 = scf.for %scan3A_41 = %scan3A to %scan3A_37 step %scan3A_38 iter_args(%scan3A_42 = %broadcast_in_dim3A_35) -> (vector<8x1xi32>)  : i32 {
      %eq3A = vector.broadcast %scan3A_42 : vector<8x1xi32> to vector<8x2048xi32>
      %eq3A_43 = arith.cmpi eq, %iota3A, %eq3A : vector<8x2048xi32>
      %convert_element_type3A = arith.extui %eq3A_43 : vector<8x2048xi1> to vector<8x2048xi32>
      %convert_element_type3A_44 = arith.sitofp %convert_element_type3A : vector<8x2048xi32> to vector<8x2048xf32>
      %eq3A_45 = vector.broadcast %scan3A_41 : i32 to vector<8x512xi32>
      %eq3A_46 = arith.cmpi eq, %iota3A_33, %eq3A_45 : vector<8x512xi32>
      %convert_element_type3A_47 = arith.extui %eq3A_46 : vector<8x512xi1> to vector<8x512xi32>
      %convert_element_type3A_48 = arith.sitofp %convert_element_type3A_47 : vector<8x512xi32> to vector<8x512xf32>
      %mul3A = arith.mulf %get3A_3, %convert_element_type3A_44 : vector<8x2048xf32>
      %reduce_sum3A = arith.constant dense<0.000000e+00> : vector<8xf32>
      %reduce_sum3A_49 = vector.multi_reduction <add>, %mul3A, %reduce_sum3A [1] : vector<8x2048xf32> to vector<8xf32>
      %broadcast_in_dim3A_50 = vector.shape_cast %reduce_sum3A_49 : vector<8xf32> to vector<8x1xf32>
      %get3A_51 = arith.constant 0 : index
      %get3A_52 = arith.constant 0 : index
      %get3A_53 = arith.constant 0 : index
      %get3A_54 = vector.load %arg1[%get3A_51, %get3A_52, %get3A_53] : memref<8x5x512xf32, #tpu.memory_space<vmem>>, vector<8x1x512xf32>
      %get3A_55 = vector.shape_cast %get3A_54 : vector<8x1x512xf32> to vector<8x512xf32>
      %mul3A_56 = vector.broadcast %broadcast_in_dim3A_50 : vector<8x1xf32> to vector<8x512xf32>
      %mul3A_57 = arith.mulf %mul3A_56, %convert_element_type3A_48 : vector<8x512xf32>
      %add3A = arith.addf %get3A_55, %mul3A_57 : vector<8x512xf32>
      %swap3A_58 = arith.constant 0 : index
      %swap3A_59 = arith.constant 0 : index
      %swap3A_60 = arith.constant 0 : index
      %swap3A_61 = vector.load %arg1[%swap3A_58, %swap3A_59, %swap3A_60] : memref<8x5x512xf32, #tpu.memory_space<vmem>>, vector<8x1x512xf32>
      %swap3A_62 = vector.shape_cast %swap3A_61 : vector<8x1x512xf32> to vector<8x512xf32>
      %swap3A_63 = vector.shape_cast %add3A : vector<8x512xf32> to vector<8x1x512xf32>
      tpu.vector_store %arg1[%swap3A_58, %swap3A_59, %swap3A_60], %swap3A_63 {strides = array<i32>} : memref<8x5x512xf32, #tpu.memory_space<vmem>>, vector<8x1x512xf32>,
      %sub3A = vector.broadcast %broadcast_in_dim3A_50 : vector<8x1xf32> to vector<8x2048xf32>
      %sub3A_64 = arith.subf %get3A_3, %sub3A : vector<8x2048xf32>
      %mul3A_65 = arith.mulf %sub3A_64, %sub3A_64 : vector<8x2048xf32>
      %mul3A_66 = arith.mulf %get3A_8, %convert_element_type3A_44 : vector<8x2048xf32>
      %reduce_sum3A_67 = arith.constant dense<0.000000e+00> : vector<8xf32>
      %reduce_sum3A_68 = vector.multi_reduction <add>, %mul3A_66, %reduce_sum3A_67 [1] : vector<8x2048xf32> to vector<8xf32>
      %broadcast_in_dim3A_69 = vector.shape_cast %reduce_sum3A_68 : vector<8xf32> to vector<8x1xf32>
      %get3A_70 = arith.constant 0 : index
      %get3A_71 = arith.constant 1 : index
      %get3A_72 = arith.constant 0 : index
      %get3A_73 = vector.load %arg1[%get3A_70, %get3A_71, %get3A_72] : memref<8x5x512xf32, #tpu.memory_space<vmem>>, vector<8x1x512xf32>
      %get3A_74 = vector.shape_cast %get3A_73 : vector<8x1x512xf32> to vector<8x512xf32>
      %mul3A_75 = vector.broadcast %broadcast_in_dim3A_69 : vector<8x1xf32> to vector<8x512xf32>
      %mul3A_76 = arith.mulf %mul3A_75, %convert_element_type3A_48 : vector<8x512xf32>
      %add3A_77 = arith.addf %get3A_74, %mul3A_76 : vector<8x512xf32>
      %swap3A_78 = arith.constant 0 : index
      %swap3A_79 = arith.constant 1 : index
      %swap3A_80 = arith.constant 0 : index
      %swap3A_81 = vector.load %arg1[%swap3A_78, %swap3A_79, %swap3A_80] : memref<8x5x512xf32, #tpu.memory_space<vmem>>, vector<8x1x512xf32>
      %swap3A_82 = vector.shape_cast %swap3A_81 : vector<8x1x512xf32> to vector<8x512xf32>
      %swap3A_83 = vector.shape_cast %add3A_77 : vector<8x512xf32> to vector<8x1x512xf32>
      tpu.vector_store %arg1[%swap3A_78, %swap3A_79, %swap3A_80], %swap3A_83 {strides = array<i32>} : memref<8x5x512xf32, #tpu.memory_space<vmem>>, vector<8x1x512xf32>,
      %sub3A_84 = vector.broadcast %broadcast_in_dim3A_69 : vector<8x1xf32> to vector<8x2048xf32>
      %sub3A_85 = arith.subf %get3A_8, %sub3A_84 : vector<8x2048xf32>
      %mul3A_86 = arith.mulf %sub3A_85, %sub3A_85 : vector<8x2048xf32>
      %add3A_87 = arith.addf %mul3A_65, %mul3A_86 : vector<8x2048xf32>
      %mul3A_88 = arith.mulf %get3A_13, %convert_element_type3A_44 : vector<8x2048xf32>
      %reduce_sum3A_89 = arith.constant dense<0.000000e+00> : vector<8xf32>
      %reduce_sum3A_90 = vector.multi_reduction <add>, %mul3A_88, %reduce_sum3A_89 [1] : vector<8x2048xf32> to vector<8xf32>
      %broadcast_in_dim3A_91 = vector.shape_cast %reduce_sum3A_90 : vector<8xf32> to vector<8x1xf32>
      %get3A_92 = arith.constant 0 : index
      %get3A_93 = arith.constant 2 : index
      %get3A_94 = arith.constant 0 : index
      %get3A_95 = vector.load %arg1[%get3A_92, %get3A_93, %get3A_94] : memref<8x5x512xf32, #tpu.memory_space<vmem>>, vector<8x1x512xf32>
      %get3A_96 = vector.shape_cast %get3A_95 : vector<8x1x512xf32> to vector<8x512xf32>
      %mul3A_97 = vector.broadcast %broadcast_in_dim3A_91 : vector<8x1xf32> to vector<8x512xf32>
      %mul3A_98 = arith.mulf %mul3A_97, %convert_element_type3A_48 : vector<8x512xf32>
      %add3A_99 = arith.addf %get3A_96, %mul3A_98 : vector<8x512xf32>
      %swap3A_100 = arith.constant 0 : index
      %swap3A_101 = arith.constant 2 : index
      %swap3A_102 = arith.constant 0 : index
      %swap3A_103 = vector.load %arg1[%swap3A_100, %swap3A_101, %swap3A_102] : memref<8x5x512xf32, #tpu.memory_space<vmem>>, vector<8x1x512xf32>
      %swap3A_104 = vector.shape_cast %swap3A_103 : vector<8x1x512xf32> to vector<8x512xf32>
      %swap3A_105 = vector.shape_cast %add3A_99 : vector<8x512xf32> to vector<8x1x512xf32>
      tpu.vector_store %arg1[%swap3A_100, %swap3A_101, %swap3A_102], %swap3A_105 {strides = array<i32>} : memref<8x5x512xf32, #tpu.memory_space<vmem>>, vector<8x1x512xf32>,
      %sub3A_106 = vector.broadcast %broadcast_in_dim3A_91 : vector<8x1xf32> to vector<8x2048xf32>
      %sub3A_107 = arith.subf %get3A_13, %sub3A_106 : vector<8x2048xf32>
      %mul3A_108 = arith.mulf %sub3A_107, %sub3A_107 : vector<8x2048xf32>
      %add3A_109 = arith.addf %add3A_87, %mul3A_108 : vector<8x2048xf32>
      %mul3A_110 = arith.mulf %get3A_18, %convert_element_type3A_44 : vector<8x2048xf32>
      %reduce_sum3A_111 = arith.constant dense<0.000000e+00> : vector<8xf32>
      %reduce_sum3A_112 = vector.multi_reduction <add>, %mul3A_110, %reduce_sum3A_111 [1] : vector<8x2048xf32> to vector<8xf32>
      %broadcast_in_dim3A_113 = vector.shape_cast %reduce_sum3A_112 : vector<8xf32> to vector<8x1xf32>
      %get3A_114 = arith.constant 0 : index
      %get3A_115 = arith.constant 3 : index
      %get3A_116 = arith.constant 0 : index
      %get3A_117 = vector.load %arg1[%get3A_114, %get3A_115, %get3A_116] : memref<8x5x512xf32, #tpu.memory_space<vmem>>, vector<8x1x512xf32>
      %get3A_118 = vector.shape_cast %get3A_117 : vector<8x1x512xf32> to vector<8x512xf32>
      %mul3A_119 = vector.broadcast %broadcast_in_dim3A_113 : vector<8x1xf32> to vector<8x512xf32>
      %mul3A_120 = arith.mulf %mul3A_119, %convert_element_type3A_48 : vector<8x512xf32>
      %add3A_121 = arith.addf %get3A_118, %mul3A_120 : vector<8x512xf32>
      %swap3A_122 = arith.constant 0 : index
      %swap3A_123 = arith.constant 3 : index
      %swap3A_124 = arith.constant 0 : index
      %swap3A_125 = vector.load %arg1[%swap3A_122, %swap3A_123, %swap3A_124] : memref<8x5x512xf32, #tpu.memory_space<vmem>>, vector<8x1x512xf32>
      %swap3A_126 = vector.shape_cast %swap3A_125 : vector<8x1x512xf32> to vector<8x512xf32>
      %swap3A_127 = vector.shape_cast %add3A_121 : vector<8x512xf32> to vector<8x1x512xf32>
      tpu.vector_store %arg1[%swap3A_122, %swap3A_123, %swap3A_124], %swap3A_127 {strides = array<i32>} : memref<8x5x512xf32, #tpu.memory_space<vmem>>, vector<8x1x512xf32>,
      %sub3A_128 = vector.broadcast %broadcast_in_dim3A_113 : vector<8x1xf32> to vector<8x2048xf32>
      %sub3A_129 = arith.subf %get3A_18, %sub3A_128 : vector<8x2048xf32>
      %mul3A_130 = arith.mulf %sub3A_129, %sub3A_129 : vector<8x2048xf32>
      %add3A_131 = arith.addf %add3A_109, %mul3A_130 : vector<8x2048xf32>
      %mul3A_132 = arith.mulf %get3A_23, %convert_element_type3A_44 : vector<8x2048xf32>
      %reduce_sum3A_133 = arith.constant dense<0.000000e+00> : vector<8xf32>
      %reduce_sum3A_134 = vector.multi_reduction <add>, %mul3A_132, %reduce_sum3A_133 [1] : vector<8x2048xf32> to vector<8xf32>
      %broadcast_in_dim3A_135 = vector.shape_cast %reduce_sum3A_134 : vector<8xf32> to vector<8x1xf32>
      %get3A_136 = arith.constant 0 : index
      %get3A_137 = arith.constant 4 : index
      %get3A_138 = arith.constant 0 : index
      %get3A_139 = vector.load %arg1[%get3A_136, %get3A_137, %get3A_138] : memref<8x5x512xf32, #tpu.memory_space<vmem>>, vector<8x1x512xf32>
      %get3A_140 = vector.shape_cast %get3A_139 : vector<8x1x512xf32> to vector<8x512xf32>
      %mul3A_141 = vector.broadcast %broadcast_in_dim3A_135 : vector<8x1xf32> to vector<8x512xf32>
      %mul3A_142 = arith.mulf %mul3A_141, %convert_element_type3A_48 : vector<8x512xf32>
      %add3A_143 = arith.addf %get3A_140, %mul3A_142 : vector<8x512xf32>
      %swap3A_144 = arith.constant 0 : index
      %swap3A_145 = arith.constant 4 : index
      %swap3A_146 = arith.constant 0 : index
      %swap3A_147 = vector.load %arg1[%swap3A_144, %swap3A_145, %swap3A_146] : memref<8x5x512xf32, #tpu.memory_space<vmem>>, vector<8x1x512xf32>
      %swap3A_148 = vector.shape_cast %swap3A_147 : vector<8x1x512xf32> to vector<8x512xf32>
      %swap3A_149 = vector.shape_cast %add3A_143 : vector<8x512xf32> to vector<8x1x512xf32>
      tpu.vector_store %arg1[%swap3A_144, %swap3A_145, %swap3A_146], %swap3A_149 {strides = array<i32>} : memref<8x5x512xf32, #tpu.memory_space<vmem>>, vector<8x1x512xf32>,
      %sub3A_150 = vector.broadcast %broadcast_in_dim3A_135 : vector<8x1xf32> to vector<8x2048xf32>
      %sub3A_151 = arith.subf %get3A_23, %sub3A_150 : vector<8x2048xf32>
      %mul3A_152 = arith.mulf %sub3A_151, %sub3A_151 : vector<8x2048xf32>
      %add3A_153 = arith.addf %add3A_131, %mul3A_152 : vector<8x2048xf32>
      %get3A_154 = arith.constant 0 : index
      %get3A_155 = arith.constant 0 : index
      %get3A_156 = vector.load %arg2[%get3A_154, %get3A_155] : memref<8x2048xf32, #tpu.memory_space<vmem>>, vector<8x2048xf32>
      %min3A = arith.minimumf %get3A_156, %add3A_153 : vector<8x2048xf32>
      %swap3A_157 = arith.constant 0 : index
      %swap3A_158 = arith.constant 0 : index
      %swap3A_159 = vector.load %arg2[%swap3A_157, %swap3A_158] : memref<8x2048xf32, #tpu.memory_space<vmem>>, vector<8x2048xf32>
      tpu.vector_store %arg2[%swap3A_157, %swap3A_158], %min3A {strides = array<i32>} : memref<8x2048xf32, #tpu.memory_space<vmem>>, vector<8x2048xf32>,
      %reduce_max3A = arith.constant dense<0xFF800000> : vector<8xf32>
      %reduce_max3A_160 = vector.multi_reduction <maximumf>, %min3A, %reduce_max3A [1] : vector<8x2048xf32> to vector<8xf32>
      %broadcast_in_dim3A_161 = vector.shape_cast %reduce_max3A_160 : vector<8xf32> to vector<8x1xf32>
      %eq3A_162 = vector.broadcast %broadcast_in_dim3A_161 : vector<8x1xf32> to vector<8x2048xf32>
      %eq3A_163 = arith.cmpf oeq, %min3A, %eq3A_162 : vector<8x2048xf32>
      %jit3A = arith.constant 2048 : i32
      %broadcast_in_dim3A_164 = vector.broadcast %jit3A : i32 to vector<8x2048xi32>
      %select_n3A = arith.select %eq3A_163, %iota3A, %broadcast_in_dim3A_164 : vector<8x2048xi1>, vector<8x2048xi32>
      %reduce_min3A = arith.constant dense<2147483647> : vector<8xi32>
      %reduce_min3A_165 = vector.multi_reduction <minsi>, %select_n3A, %reduce_min3A [1] : vector<8x2048xi32> to vector<8xi32>
      %broadcast_in_dim3A_166 = vector.shape_cast %reduce_min3A_165 : vector<8xi32> to vector<8x1xi32>
      scf.yield %broadcast_in_dim3A_166 : vector<8x1xi32>
    }
    %scan3A_40 = arith.constant 512 : i32
    return
  }
}

module attributes {stable_mosaic.version = 14 : i64} {
  func.func @_bq_rank_body(%arg0: i32, %arg1: i32, %arg2: memref<1x64x5xf32, #tpu.memory_space<vmem>>, %arg3: memref<1x5x2048xf32, #tpu.memory_space<vmem>>, %arg4: memref<1x64x32xi32, #tpu.memory_space<vmem>>, %arg5: memref<1x2048xf32, #tpu.memory_space<vmem>>) attributes {dimension_semantics = [#tpu.dimension_semantics<arbitrary>, #tpu.dimension_semantics<arbitrary>], iteration_bounds = array<i64: 8, 8>, scalar_prefetch = 0 : i64, scratch_operands = 1 : i64, tpu.core_type = #tpu.core_type<tc>, window_params = [{transform_indices = @transform_0, window_bounds = array<i64: 1, 64, 5>}, {transform_indices = @transform_1, window_bounds = array<i64: 1, 5, 2048>}, {transform_indices = @transform_2, window_bounds = array<i64: 1, 64, 32>}]} {
    %get3A = arith.constant 0 : index
    %get3A_0 = arith.constant 0 : index
    %get3A_1 = arith.constant 0 : index
    %get3A_2 = vector.load %arg3[%get3A, %get3A_0, %get3A_1] : memref<1x5x2048xf32, #tpu.memory_space<vmem>>, vector<1x5x2048xf32>
    %get3A_3 = vector.shape_cast %get3A_2 : vector<1x5x2048xf32> to vector<5x2048xf32>
    %eq3A = arith.constant 0 : i32
    %eq3A_4 = arith.cmpi eq, %arg1, %eq3A : i32
    %convert_element_type3A = arith.extui %eq3A_4 : i1 to i32
    %cond3A = arith.constant 0 : i32
    %cond3A_5 = arith.cmpi ne, %convert_element_type3A, %cond3A : i32
    scf.if %cond3A_5 {
      %mul3A_104 = arith.mulf %get3A_3, %get3A_3 : vector<5x2048xf32>
      %reduce_sum3A_105 = arith.constant dense<0.000000e+00> : vector<2048xf32>
      %reduce_sum3A_106 = vector.multi_reduction <add>, %mul3A_104, %reduce_sum3A_105 [0] : vector<5x2048xf32> to vector<2048xf32>
      %broadcast_in_dim3A_107 = vector.shape_cast %reduce_sum3A_106 : vector<2048xf32> to vector<1x2048xf32>
      %swap3A_108 = arith.constant 0 : index
      %swap3A_109 = arith.constant 0 : index
      %swap3A_110 = vector.load %arg5[%swap3A_108, %swap3A_109] : memref<1x2048xf32, #tpu.memory_space<vmem>>, vector<1x2048xf32>
      tpu.vector_store %arg5[%swap3A_108, %swap3A_109], %broadcast_in_dim3A_107 {strides = array<i32>} : memref<1x2048xf32, #tpu.memory_space<vmem>>, vector<1x2048xf32>,
    } else {
    }
    %get3A_6 = arith.constant 0 : index
    %get3A_7 = arith.constant 0 : index
    %get3A_8 = arith.constant 0 : index
    %get3A_9 = vector.load %arg2[%get3A_6, %get3A_7, %get3A_8] : memref<1x64x5xf32, #tpu.memory_space<vmem>>, vector<1x64x5xf32>
    %get3A_10 = vector.shape_cast %get3A_9 : vector<1x64x5xf32> to vector<64x5xf32>
    %mul3A = arith.mulf %get3A_10, %get3A_10 : vector<64x5xf32>
    %reduce_sum3A = arith.constant dense<0.000000e+00> : vector<64xf32>
    %reduce_sum3A_11 = vector.multi_reduction <add>, %mul3A, %reduce_sum3A [1] : vector<64x5xf32> to vector<64xf32>
    %broadcast_in_dim3A = vector.shape_cast %reduce_sum3A_11 : vector<64xf32> to vector<64x1xf32>
    %dot_general3A = arith.constant dense<0.000000e+00> : vector<64x2048xf32>
    %dot_general3A_12 = tpu.matmul %get3A_10, %get3A_3, %dot_general3A {dimension_numbers = #tpu.dot_dimension_numbers<[1], [0], [0], [1], [0, 0, 1, 1], [], []>, transpose_lhs_hint = false} : vector<64x5xf32>, vector<5x2048xf32>, vector<64x2048xf32> -> vector<64x2048xf32>
    %get3A_13 = arith.constant 0 : index
    %get3A_14 = arith.constant 0 : index
    %get3A_15 = vector.load %arg5[%get3A_13, %get3A_14] : memref<1x2048xf32, #tpu.memory_space<vmem>>, vector<1x2048xf32>
    %add3A = vector.broadcast %broadcast_in_dim3A : vector<64x1xf32> to vector<64x2048xf32>
    %add3A_16 = vector.broadcast %get3A_15 : vector<1x2048xf32> to vector<64x2048xf32>
    %add3A_17 = arith.addf %add3A, %add3A_16 : vector<64x2048xf32>
    %mul3A_18 = arith.constant 2.000000e+00 : f32
    %mul3A_19 = vector.broadcast %mul3A_18 : f32 to vector<64x2048xf32>
    %mul3A_20 = arith.mulf %mul3A_19, %dot_general3A_12 : vector<64x2048xf32>
    %sub3A = arith.subf %add3A_17, %mul3A_20 : vector<64x2048xf32>
    %le3A = arith.constant 4.000000e-02 : f32
    %le3A_21 = vector.broadcast %le3A : f32 to vector<64x2048xf32>
    %le3A_22 = arith.cmpf ole, %sub3A, %le3A_21 : vector<64x2048xf32>
    %convert_element_type3A_23 = arith.extui %le3A_22 : vector<64x2048xi1> to vector<64x2048xi32>
    %broadcast_in_dim3A_24 = arith.constant 0 : i32
    %broadcast_in_dim3A_25 = vector.broadcast %broadcast_in_dim3A_24 : i32 to vector<64x1xi32>
    %slice3A = vector.extract_strided_slice %convert_element_type3A_23 {offsets = [0, 0], sizes = [64, 2047], strides = [1, 1]} : vector<64x2048xi32> to vector<64x2047xi32>
    %concatenate3A = tpu.concatenate %broadcast_in_dim3A_25, %slice3A in 1 : vector<64x1xi32>, vector<64x2047xi32> -> vector<64x2048xi32>
    %add3A_26 = arith.addi %convert_element_type3A_23, %concatenate3A : vector<64x2048xi32>
    %broadcast_in_dim3A_27 = arith.constant 0 : i32
    %broadcast_in_dim3A_28 = vector.broadcast %broadcast_in_dim3A_27 : i32 to vector<64x2xi32>
    %slice3A_29 = vector.extract_strided_slice %add3A_26 {offsets = [0, 0], sizes = [64, 2046], strides = [1, 1]} : vector<64x2048xi32> to vector<64x2046xi32>
    %concatenate3A_30 = tpu.concatenate %broadcast_in_dim3A_28, %slice3A_29 in 1 : vector<64x2xi32>, vector<64x2046xi32> -> vector<64x2048xi32>
    %add3A_31 = arith.addi %add3A_26, %concatenate3A_30 : vector<64x2048xi32>
    %broadcast_in_dim3A_32 = arith.constant 0 : i32
    %broadcast_in_dim3A_33 = vector.broadcast %broadcast_in_dim3A_32 : i32 to vector<64x4xi32>
    %slice3A_34 = vector.extract_strided_slice %add3A_31 {offsets = [0, 0], sizes = [64, 2044], strides = [1, 1]} : vector<64x2048xi32> to vector<64x2044xi32>
    %concatenate3A_35 = tpu.concatenate %broadcast_in_dim3A_33, %slice3A_34 in 1 : vector<64x4xi32>, vector<64x2044xi32> -> vector<64x2048xi32>
    %add3A_36 = arith.addi %add3A_31, %concatenate3A_35 : vector<64x2048xi32>
    %broadcast_in_dim3A_37 = arith.constant 0 : i32
    %broadcast_in_dim3A_38 = vector.broadcast %broadcast_in_dim3A_37 : i32 to vector<64x8xi32>
    %slice3A_39 = vector.extract_strided_slice %add3A_36 {offsets = [0, 0], sizes = [64, 2040], strides = [1, 1]} : vector<64x2048xi32> to vector<64x2040xi32>
    %concatenate3A_40 = tpu.concatenate %broadcast_in_dim3A_38, %slice3A_39 in 1 : vector<64x8xi32>, vector<64x2040xi32> -> vector<64x2048xi32>
    %add3A_41 = arith.addi %add3A_36, %concatenate3A_40 : vector<64x2048xi32>
    %broadcast_in_dim3A_42 = arith.constant 0 : i32
    %broadcast_in_dim3A_43 = vector.broadcast %broadcast_in_dim3A_42 : i32 to vector<64x16xi32>
    %slice3A_44 = vector.extract_strided_slice %add3A_41 {offsets = [0, 0], sizes = [64, 2032], strides = [1, 1]} : vector<64x2048xi32> to vector<64x2032xi32>
    %concatenate3A_45 = tpu.concatenate %broadcast_in_dim3A_43, %slice3A_44 in 1 : vector<64x16xi32>, vector<64x2032xi32> -> vector<64x2048xi32>
    %add3A_46 = arith.addi %add3A_41, %concatenate3A_45 : vector<64x2048xi32>
    %broadcast_in_dim3A_47 = arith.constant 0 : i32
    %broadcast_in_dim3A_48 = vector.broadcast %broadcast_in_dim3A_47 : i32 to vector<64x32xi32>
    %slice3A_49 = vector.extract_strided_slice %add3A_46 {offsets = [0, 0], sizes = [64, 2016], strides = [1, 1]} : vector<64x2048xi32> to vector<64x2016xi32>
    %concatenate3A_50 = tpu.concatenate %broadcast_in_dim3A_48, %slice3A_49 in 1 : vector<64x32xi32>, vector<64x2016xi32> -> vector<64x2048xi32>
    %add3A_51 = arith.addi %add3A_46, %concatenate3A_50 : vector<64x2048xi32>
    %broadcast_in_dim3A_52 = arith.constant 0 : i32
    %broadcast_in_dim3A_53 = vector.broadcast %broadcast_in_dim3A_52 : i32 to vector<64x64xi32>
    %slice3A_54 = vector.extract_strided_slice %add3A_51 {offsets = [0, 0], sizes = [64, 1984], strides = [1, 1]} : vector<64x2048xi32> to vector<64x1984xi32>
    %concatenate3A_55 = tpu.concatenate %broadcast_in_dim3A_53, %slice3A_54 in 1 : vector<64x64xi32>, vector<64x1984xi32> -> vector<64x2048xi32>
    %add3A_56 = arith.addi %add3A_51, %concatenate3A_55 : vector<64x2048xi32>
    %broadcast_in_dim3A_57 = arith.constant 0 : i32
    %broadcast_in_dim3A_58 = vector.broadcast %broadcast_in_dim3A_57 : i32 to vector<64x128xi32>
    %slice3A_59 = vector.extract_strided_slice %add3A_56 {offsets = [0, 0], sizes = [64, 1920], strides = [1, 1]} : vector<64x2048xi32> to vector<64x1920xi32>
    %concatenate3A_60 = tpu.concatenate %broadcast_in_dim3A_58, %slice3A_59 in 1 : vector<64x128xi32>, vector<64x1920xi32> -> vector<64x2048xi32>
    %add3A_61 = arith.addi %add3A_56, %concatenate3A_60 : vector<64x2048xi32>
    %broadcast_in_dim3A_62 = arith.constant 0 : i32
    %broadcast_in_dim3A_63 = vector.broadcast %broadcast_in_dim3A_62 : i32 to vector<64x256xi32>
    %slice3A_64 = vector.extract_strided_slice %add3A_61 {offsets = [0, 0], sizes = [64, 1792], strides = [1, 1]} : vector<64x2048xi32> to vector<64x1792xi32>
    %concatenate3A_65 = tpu.concatenate %broadcast_in_dim3A_63, %slice3A_64 in 1 : vector<64x256xi32>, vector<64x1792xi32> -> vector<64x2048xi32>
    %add3A_66 = arith.addi %add3A_61, %concatenate3A_65 : vector<64x2048xi32>
    %broadcast_in_dim3A_67 = arith.constant 0 : i32
    %broadcast_in_dim3A_68 = vector.broadcast %broadcast_in_dim3A_67 : i32 to vector<64x512xi32>
    %slice3A_69 = vector.extract_strided_slice %add3A_66 {offsets = [0, 0], sizes = [64, 1536], strides = [1, 1]} : vector<64x2048xi32> to vector<64x1536xi32>
    %concatenate3A_70 = tpu.concatenate %broadcast_in_dim3A_68, %slice3A_69 in 1 : vector<64x512xi32>, vector<64x1536xi32> -> vector<64x2048xi32>
    %add3A_71 = arith.addi %add3A_66, %concatenate3A_70 : vector<64x2048xi32>
    %broadcast_in_dim3A_72 = arith.constant 0 : i32
    %broadcast_in_dim3A_73 = vector.broadcast %broadcast_in_dim3A_72 : i32 to vector<64x1024xi32>
    %slice3A_74 = vector.extract_strided_slice %add3A_71 {offsets = [0, 0], sizes = [64, 1024], strides = [1, 1]} : vector<64x2048xi32> to vector<64x1024xi32>
    %concatenate3A_75 = tpu.concatenate %broadcast_in_dim3A_73, %slice3A_74 in 1 : vector<64x1024xi32>, vector<64x1024xi32> -> vector<64x2048xi32>
    %add3A_76 = arith.addi %add3A_71, %concatenate3A_75 : vector<64x2048xi32>
    %jit3A = arith.constant 0 : i32
    %broadcast_in_dim3A_77 = vector.broadcast %jit3A : i32 to vector<64x2048xi32>
    %select_n3A = arith.select %le3A_22, %add3A_76, %broadcast_in_dim3A_77 : vector<64x2048xi1>, vector<64x2048xi32>
    %iota3A = tpu.iota {dimensions = array<i32: 1>} : vector<64x32x2048xi32>
    %add3A_78 = arith.constant 1 : i32
    %add3A_79 = vector.broadcast %add3A_78 : i32 to vector<64x32x2048xi32>
    %add3A_80 = arith.addi %iota3A, %add3A_79 : vector<64x32x2048xi32>
    %iota3A_81 = tpu.iota {dimensions = array<i32: 2>} : vector<64x32x2048xi32>
    %broadcast_in_dim3A_82 = vector.shape_cast %select_n3A : vector<64x2048xi32> to vector<64x1x2048xi32>
    %eq3A_83 = vector.broadcast %broadcast_in_dim3A_82 : vector<64x1x2048xi32> to vector<64x32x2048xi32>
    %eq3A_84 = arith.cmpi eq, %eq3A_83, %add3A_80 : vector<64x32x2048xi32>
    %jit3A_85 = arith.constant 2048 : i32
    %broadcast_in_dim3A_86 = vector.broadcast %jit3A_85 : i32 to vector<64x32x2048xi32>
    %select_n3A_87 = arith.select %eq3A_84, %iota3A_81, %broadcast_in_dim3A_86 : vector<64x32x2048xi1>, vector<64x32x2048xi32>
    %reduce_min3A = arith.constant dense<2147483647> : vector<64x32xi32>
    %reduce_min3A_88 = vector.multi_reduction <minsi>, %select_n3A_87, %reduce_min3A [2] : vector<64x32x2048xi32> to vector<64x32xi32>
    %lt3A = arith.constant 2048 : i32
    %lt3A_89 = vector.broadcast %lt3A : i32 to vector<64x32xi32>
    %lt3A_90 = arith.cmpi slt, %reduce_min3A_88, %lt3A_89 : vector<64x32xi32>
    %slice3A_91 = vector.extract_strided_slice %reduce_min3A_88 {offsets = [0, 0], sizes = [64, 1], strides = [1, 1]} : vector<64x32xi32> to vector<64x1xi32>
    %broadcast_in_dim3A_92 = vector.shape_cast %slice3A_91 : vector<64x1xi32> to vector<64x1xi32>
    %broadcast_in_dim3A_93 = vector.broadcast %broadcast_in_dim3A_92 : vector<64x1xi32> to vector<64x32xi32>
    %select_n3A_94 = arith.select %lt3A_90, %reduce_min3A_88, %broadcast_in_dim3A_93 : vector<64x32xi1>, vector<64x32xi32>
    %mul3A_95 = arith.constant 2048 : i32
    %mul3A_96 = arith.muli %arg0, %mul3A_95 : i32
    %add3A_97 = vector.broadcast %mul3A_96 : i32 to vector<64x32xi32>
    %add3A_98 = arith.addi %select_n3A_94, %add3A_97 : vector<64x32xi32>
    %swap3A = arith.constant 0 : index
    %swap3A_99 = arith.constant 0 : index
    %swap3A_100 = arith.constant 0 : index
    %swap3A_101 = vector.load %arg4[%swap3A, %swap3A_99, %swap3A_100] : memref<1x64x32xi32, #tpu.memory_space<vmem>>, vector<1x64x32xi32>
    %swap3A_102 = vector.shape_cast %swap3A_101 : vector<1x64x32xi32> to vector<64x32xi32>
    %swap3A_103 = vector.shape_cast %add3A_98 : vector<64x32xi32> to vector<1x64x32xi32>
    tpu.vector_store %arg4[%swap3A, %swap3A_99, %swap3A_100], %swap3A_103 {strides = array<i32>} : memref<1x64x32xi32, #tpu.memory_space<vmem>>, vector<1x64x32xi32>,
    return
  }
  func.func @transform_0(%arg0: i32, %arg1: i32) -> (i32, i32, i32) {
    %c0_i32 = arith.constant 0 : i32
    %c0_i32_0 = arith.constant 0 : i32
    return %arg0, %arg1, %c0_i32 : i32, i32, i32
  }
  func.func @transform_1(%arg0: i32, %arg1: i32) -> (i32, i32, i32) {
    %c0_i32 = arith.constant 0 : i32
    %c0_i32_0 = arith.constant 0 : i32
    %c0_i32_1 = arith.constant 0 : i32
    return %arg0, %c0_i32, %c0_i32_0 : i32, i32, i32
  }
  func.func @transform_2(%arg0: i32, %arg1: i32) -> (i32, i32, i32) {
    %c0_i32 = arith.constant 0 : i32
    %c0_i32_0 = arith.constant 0 : i32
    return %arg0, %arg1, %c0_i32 : i32, i32, i32
  }
}

module attributes {stable_mosaic.version = 14 : i64} {
  func.func @_fw_body(%arg0: i32, %arg1: memref<1x2048x5xf32, #tpu.memory_space<vmem>>, %arg2: memref<5x64xf32, #tpu.memory_space<vmem>>, %arg3: memref<1x2048x128xf32, #tpu.memory_space<vmem>>) attributes {dimension_semantics = [#tpu.dimension_semantics<arbitrary>], iteration_bounds = array<i64: 8>, scalar_prefetch = 0 : i64, scratch_operands = 0 : i64, tpu.core_type = #tpu.core_type<tc>, window_params = [{transform_indices = @transform_0, window_bounds = array<i64: 1, 2048, 5>}, {pipeline_mode = #tpu.pipeline_mode<synchronous>, transform_indices = @transform_1, window_bounds = array<i64: 5, 64>}, {transform_indices = @transform_2, window_bounds = array<i64: 1, 2048, 128>}]} {
    %get3A = arith.constant 0 : index
    %get3A_0 = arith.constant 0 : index
    %get3A_1 = arith.constant 0 : index
    %get3A_2 = vector.load %arg1[%get3A, %get3A_0, %get3A_1] : memref<1x2048x5xf32, #tpu.memory_space<vmem>>, vector<1x2048x5xf32>
    %get3A_3 = vector.shape_cast %get3A_2 : vector<1x2048x5xf32> to vector<2048x5xf32>
    %get3A_4 = arith.constant 0 : index
    %get3A_5 = arith.constant 0 : index
    %get3A_6 = vector.load %arg2[%get3A_4, %get3A_5] : memref<5x64xf32, #tpu.memory_space<vmem>>, vector<5x64xf32>
    %dot_general3A = arith.constant dense<0.000000e+00> : vector<2048x64xf32>
    %dot_general3A_7 = tpu.matmul %get3A_3, %get3A_6, %dot_general3A {dimension_numbers = #tpu.dot_dimension_numbers<[1], [0], [0], [1], [0, 0, 1, 1], [], []>, transpose_lhs_hint = false} : vector<2048x5xf32>, vector<5x64xf32>, vector<2048x64xf32> -> vector<2048x64xf32>
    %broadcast_in_dim3A = arith.constant 0.000000e+00 : f32
    %broadcast_in_dim3A_8 = vector.broadcast %broadcast_in_dim3A : f32 to vector<2048x64xf32>
    %concatenate3A = tpu.concatenate %dot_general3A_7, %broadcast_in_dim3A_8 in 1 : vector<2048x64xf32>, vector<2048x64xf32> -> vector<2048x128xf32>
    %swap3A = arith.constant 0 : index
    %swap3A_9 = arith.constant 0 : index
    %swap3A_10 = arith.constant 0 : index
    %swap3A_11 = vector.load %arg3[%swap3A, %swap3A_9, %swap3A_10] : memref<1x2048x128xf32, #tpu.memory_space<vmem>>, vector<1x2048x128xf32>
    %swap3A_12 = vector.shape_cast %swap3A_11 : vector<1x2048x128xf32> to vector<2048x128xf32>
    %swap3A_13 = vector.shape_cast %concatenate3A : vector<2048x128xf32> to vector<1x2048x128xf32>
    tpu.vector_store %arg3[%swap3A, %swap3A_9, %swap3A_10], %swap3A_13 {strides = array<i32>} : memref<1x2048x128xf32, #tpu.memory_space<vmem>>, vector<1x2048x128xf32>,
    return
  }
  func.func @transform_0(%arg0: i32) -> (i32, i32, i32) {
    %c0_i32 = arith.constant 0 : i32
    %c0_i32_0 = arith.constant 0 : i32
    %c0_i32_1 = arith.constant 0 : i32
    return %arg0, %c0_i32, %c0_i32_0 : i32, i32, i32
  }
  func.func @transform_1(%arg0: i32) -> (i32, i32) {
    %c0_i32 = arith.constant 0 : i32
    %c0_i32_0 = arith.constant 0 : i32
    %c0_i32_1 = arith.constant 0 : i32
    return %c0_i32, %c0_i32_0 : i32, i32
  }
  func.func @transform_2(%arg0: i32) -> (i32, i32, i32) {
    %c0_i32 = arith.constant 0 : i32
    %c0_i32_0 = arith.constant 0 : i32
    %c0_i32_1 = arith.constant 0 : i32
    return %arg0, %c0_i32, %c0_i32_0 : i32, i32, i32
  }
}

module attributes {stable_mosaic.version = 14 : i64} {
  func.func @_fps_body(%arg0: memref<8x5x512xf32, #tpu.memory_space<vmem>>, %arg1: memref<8x5x128xf32, #tpu.memory_space<vmem>>, %arg2: memref<8x512xf32, #tpu.memory_space<vmem>>) attributes {dimension_semantics = [], scalar_prefetch = 0 : i64, scratch_operands = 1 : i64, tpu.core_type = #tpu.core_type<tc>} {
    %get3A = arith.constant 0 : index
    %get3A_0 = arith.constant 0 : index
    %get3A_1 = arith.constant 0 : index
    %get3A_2 = vector.load %arg0[%get3A, %get3A_0, %get3A_1] : memref<8x5x512xf32, #tpu.memory_space<vmem>>, vector<8x1x512xf32>
    %get3A_3 = vector.shape_cast %get3A_2 : vector<8x1x512xf32> to vector<8x512xf32>
    %get3A_4 = arith.constant 0 : index
    %get3A_5 = arith.constant 1 : index
    %get3A_6 = arith.constant 0 : index
    %get3A_7 = vector.load %arg0[%get3A_4, %get3A_5, %get3A_6] : memref<8x5x512xf32, #tpu.memory_space<vmem>>, vector<8x1x512xf32>
    %get3A_8 = vector.shape_cast %get3A_7 : vector<8x1x512xf32> to vector<8x512xf32>
    %get3A_9 = arith.constant 0 : index
    %get3A_10 = arith.constant 2 : index
    %get3A_11 = arith.constant 0 : index
    %get3A_12 = vector.load %arg0[%get3A_9, %get3A_10, %get3A_11] : memref<8x5x512xf32, #tpu.memory_space<vmem>>, vector<8x1x512xf32>
    %get3A_13 = vector.shape_cast %get3A_12 : vector<8x1x512xf32> to vector<8x512xf32>
    %get3A_14 = arith.constant 0 : index
    %get3A_15 = arith.constant 3 : index
    %get3A_16 = arith.constant 0 : index
    %get3A_17 = vector.load %arg0[%get3A_14, %get3A_15, %get3A_16] : memref<8x5x512xf32, #tpu.memory_space<vmem>>, vector<8x1x512xf32>
    %get3A_18 = vector.shape_cast %get3A_17 : vector<8x1x512xf32> to vector<8x512xf32>
    %get3A_19 = arith.constant 0 : index
    %get3A_20 = arith.constant 4 : index
    %get3A_21 = arith.constant 0 : index
    %get3A_22 = vector.load %arg0[%get3A_19, %get3A_20, %get3A_21] : memref<8x5x512xf32, #tpu.memory_space<vmem>>, vector<8x1x512xf32>
    %get3A_23 = vector.shape_cast %get3A_22 : vector<8x1x512xf32> to vector<8x512xf32>
    %broadcast_in_dim3A = arith.constant 0.000000e+00 : f32
    %broadcast_in_dim3A_24 = vector.broadcast %broadcast_in_dim3A : f32 to vector<8x5x128xf32>
    %swap3A = arith.constant 0 : index
    %swap3A_25 = arith.constant 0 : index
    %swap3A_26 = arith.constant 0 : index
    %swap3A_27 = vector.load %arg1[%swap3A, %swap3A_25, %swap3A_26] : memref<8x5x128xf32, #tpu.memory_space<vmem>>, vector<8x5x128xf32>
    tpu.vector_store %arg1[%swap3A, %swap3A_25, %swap3A_26], %broadcast_in_dim3A_24 {strides = array<i32>} : memref<8x5x128xf32, #tpu.memory_space<vmem>>, vector<8x5x128xf32>,
    %broadcast_in_dim3A_28 = arith.constant 1.000000e+10 : f32
    %broadcast_in_dim3A_29 = vector.broadcast %broadcast_in_dim3A_28 : f32 to vector<8x512xf32>
    %swap3A_30 = arith.constant 0 : index
    %swap3A_31 = arith.constant 0 : index
    %swap3A_32 = vector.load %arg2[%swap3A_30, %swap3A_31] : memref<8x512xf32, #tpu.memory_space<vmem>>, vector<8x512xf32>
    tpu.vector_store %arg2[%swap3A_30, %swap3A_31], %broadcast_in_dim3A_29 {strides = array<i32>} : memref<8x512xf32, #tpu.memory_space<vmem>>, vector<8x512xf32>,
    %iota3A = tpu.iota {dimensions = array<i32: 1>} : vector<8x512xi32>
    %iota3A_33 = tpu.iota {dimensions = array<i32: 1>} : vector<8x128xi32>
    %broadcast_in_dim3A_34 = arith.constant 0 : i32
    %broadcast_in_dim3A_35 = vector.broadcast %broadcast_in_dim3A_34 : i32 to vector<8x1xi32>
    %scan3A = arith.constant 0 : i32
    %scan3A_36 = arith.constant 128 : i32
    %scan3A_37 = arith.addi %scan3A, %scan3A_36 : i32
    %scan3A_38 = arith.constant 1 : i32
    %scan3A_39 = scf.for %scan3A_41 = %scan3A to %scan3A_37 step %scan3A_38 iter_args(%scan3A_42 = %broadcast_in_dim3A_35) -> (vector<8x1xi32>)  : i32 {
      %eq3A = vector.broadcast %scan3A_42 : vector<8x1xi32> to vector<8x512xi32>
      %eq3A_43 = arith.cmpi eq, %iota3A, %eq3A : vector<8x512xi32>
      %convert_element_type3A = arith.extui %eq3A_43 : vector<8x512xi1> to vector<8x512xi32>
      %convert_element_type3A_44 = arith.sitofp %convert_element_type3A : vector<8x512xi32> to vector<8x512xf32>
      %eq3A_45 = vector.broadcast %scan3A_41 : i32 to vector<8x128xi32>
      %eq3A_46 = arith.cmpi eq, %iota3A_33, %eq3A_45 : vector<8x128xi32>
      %convert_element_type3A_47 = arith.extui %eq3A_46 : vector<8x128xi1> to vector<8x128xi32>
      %convert_element_type3A_48 = arith.sitofp %convert_element_type3A_47 : vector<8x128xi32> to vector<8x128xf32>
      %mul3A = arith.mulf %get3A_3, %convert_element_type3A_44 : vector<8x512xf32>
      %reduce_sum3A = arith.constant dense<0.000000e+00> : vector<8xf32>
      %reduce_sum3A_49 = vector.multi_reduction <add>, %mul3A, %reduce_sum3A [1] : vector<8x512xf32> to vector<8xf32>
      %broadcast_in_dim3A_50 = vector.shape_cast %reduce_sum3A_49 : vector<8xf32> to vector<8x1xf32>
      %get3A_51 = arith.constant 0 : index
      %get3A_52 = arith.constant 0 : index
      %get3A_53 = arith.constant 0 : index
      %get3A_54 = vector.load %arg1[%get3A_51, %get3A_52, %get3A_53] : memref<8x5x128xf32, #tpu.memory_space<vmem>>, vector<8x1x128xf32>
      %get3A_55 = vector.shape_cast %get3A_54 : vector<8x1x128xf32> to vector<8x128xf32>
      %mul3A_56 = vector.broadcast %broadcast_in_dim3A_50 : vector<8x1xf32> to vector<8x128xf32>
      %mul3A_57 = arith.mulf %mul3A_56, %convert_element_type3A_48 : vector<8x128xf32>
      %add3A = arith.addf %get3A_55, %mul3A_57 : vector<8x128xf32>
      %swap3A_58 = arith.constant 0 : index
      %swap3A_59 = arith.constant 0 : index
      %swap3A_60 = arith.constant 0 : index
      %swap3A_61 = vector.load %arg1[%swap3A_58, %swap3A_59, %swap3A_60] : memref<8x5x128xf32, #tpu.memory_space<vmem>>, vector<8x1x128xf32>
      %swap3A_62 = vector.shape_cast %swap3A_61 : vector<8x1x128xf32> to vector<8x128xf32>
      %swap3A_63 = vector.shape_cast %add3A : vector<8x128xf32> to vector<8x1x128xf32>
      tpu.vector_store %arg1[%swap3A_58, %swap3A_59, %swap3A_60], %swap3A_63 {strides = array<i32>} : memref<8x5x128xf32, #tpu.memory_space<vmem>>, vector<8x1x128xf32>,
      %sub3A = vector.broadcast %broadcast_in_dim3A_50 : vector<8x1xf32> to vector<8x512xf32>
      %sub3A_64 = arith.subf %get3A_3, %sub3A : vector<8x512xf32>
      %mul3A_65 = arith.mulf %sub3A_64, %sub3A_64 : vector<8x512xf32>
      %mul3A_66 = arith.mulf %get3A_8, %convert_element_type3A_44 : vector<8x512xf32>
      %reduce_sum3A_67 = arith.constant dense<0.000000e+00> : vector<8xf32>
      %reduce_sum3A_68 = vector.multi_reduction <add>, %mul3A_66, %reduce_sum3A_67 [1] : vector<8x512xf32> to vector<8xf32>
      %broadcast_in_dim3A_69 = vector.shape_cast %reduce_sum3A_68 : vector<8xf32> to vector<8x1xf32>
      %get3A_70 = arith.constant 0 : index
      %get3A_71 = arith.constant 1 : index
      %get3A_72 = arith.constant 0 : index
      %get3A_73 = vector.load %arg1[%get3A_70, %get3A_71, %get3A_72] : memref<8x5x128xf32, #tpu.memory_space<vmem>>, vector<8x1x128xf32>
      %get3A_74 = vector.shape_cast %get3A_73 : vector<8x1x128xf32> to vector<8x128xf32>
      %mul3A_75 = vector.broadcast %broadcast_in_dim3A_69 : vector<8x1xf32> to vector<8x128xf32>
      %mul3A_76 = arith.mulf %mul3A_75, %convert_element_type3A_48 : vector<8x128xf32>
      %add3A_77 = arith.addf %get3A_74, %mul3A_76 : vector<8x128xf32>
      %swap3A_78 = arith.constant 0 : index
      %swap3A_79 = arith.constant 1 : index
      %swap3A_80 = arith.constant 0 : index
      %swap3A_81 = vector.load %arg1[%swap3A_78, %swap3A_79, %swap3A_80] : memref<8x5x128xf32, #tpu.memory_space<vmem>>, vector<8x1x128xf32>
      %swap3A_82 = vector.shape_cast %swap3A_81 : vector<8x1x128xf32> to vector<8x128xf32>
      %swap3A_83 = vector.shape_cast %add3A_77 : vector<8x128xf32> to vector<8x1x128xf32>
      tpu.vector_store %arg1[%swap3A_78, %swap3A_79, %swap3A_80], %swap3A_83 {strides = array<i32>} : memref<8x5x128xf32, #tpu.memory_space<vmem>>, vector<8x1x128xf32>,
      %sub3A_84 = vector.broadcast %broadcast_in_dim3A_69 : vector<8x1xf32> to vector<8x512xf32>
      %sub3A_85 = arith.subf %get3A_8, %sub3A_84 : vector<8x512xf32>
      %mul3A_86 = arith.mulf %sub3A_85, %sub3A_85 : vector<8x512xf32>
      %add3A_87 = arith.addf %mul3A_65, %mul3A_86 : vector<8x512xf32>
      %mul3A_88 = arith.mulf %get3A_13, %convert_element_type3A_44 : vector<8x512xf32>
      %reduce_sum3A_89 = arith.constant dense<0.000000e+00> : vector<8xf32>
      %reduce_sum3A_90 = vector.multi_reduction <add>, %mul3A_88, %reduce_sum3A_89 [1] : vector<8x512xf32> to vector<8xf32>
      %broadcast_in_dim3A_91 = vector.shape_cast %reduce_sum3A_90 : vector<8xf32> to vector<8x1xf32>
      %get3A_92 = arith.constant 0 : index
      %get3A_93 = arith.constant 2 : index
      %get3A_94 = arith.constant 0 : index
      %get3A_95 = vector.load %arg1[%get3A_92, %get3A_93, %get3A_94] : memref<8x5x128xf32, #tpu.memory_space<vmem>>, vector<8x1x128xf32>
      %get3A_96 = vector.shape_cast %get3A_95 : vector<8x1x128xf32> to vector<8x128xf32>
      %mul3A_97 = vector.broadcast %broadcast_in_dim3A_91 : vector<8x1xf32> to vector<8x128xf32>
      %mul3A_98 = arith.mulf %mul3A_97, %convert_element_type3A_48 : vector<8x128xf32>
      %add3A_99 = arith.addf %get3A_96, %mul3A_98 : vector<8x128xf32>
      %swap3A_100 = arith.constant 0 : index
      %swap3A_101 = arith.constant 2 : index
      %swap3A_102 = arith.constant 0 : index
      %swap3A_103 = vector.load %arg1[%swap3A_100, %swap3A_101, %swap3A_102] : memref<8x5x128xf32, #tpu.memory_space<vmem>>, vector<8x1x128xf32>
      %swap3A_104 = vector.shape_cast %swap3A_103 : vector<8x1x128xf32> to vector<8x128xf32>
      %swap3A_105 = vector.shape_cast %add3A_99 : vector<8x128xf32> to vector<8x1x128xf32>
      tpu.vector_store %arg1[%swap3A_100, %swap3A_101, %swap3A_102], %swap3A_105 {strides = array<i32>} : memref<8x5x128xf32, #tpu.memory_space<vmem>>, vector<8x1x128xf32>,
      %sub3A_106 = vector.broadcast %broadcast_in_dim3A_91 : vector<8x1xf32> to vector<8x512xf32>
      %sub3A_107 = arith.subf %get3A_13, %sub3A_106 : vector<8x512xf32>
      %mul3A_108 = arith.mulf %sub3A_107, %sub3A_107 : vector<8x512xf32>
      %add3A_109 = arith.addf %add3A_87, %mul3A_108 : vector<8x512xf32>
      %mul3A_110 = arith.mulf %get3A_18, %convert_element_type3A_44 : vector<8x512xf32>
      %reduce_sum3A_111 = arith.constant dense<0.000000e+00> : vector<8xf32>
      %reduce_sum3A_112 = vector.multi_reduction <add>, %mul3A_110, %reduce_sum3A_111 [1] : vector<8x512xf32> to vector<8xf32>
      %broadcast_in_dim3A_113 = vector.shape_cast %reduce_sum3A_112 : vector<8xf32> to vector<8x1xf32>
      %get3A_114 = arith.constant 0 : index
      %get3A_115 = arith.constant 3 : index
      %get3A_116 = arith.constant 0 : index
      %get3A_117 = vector.load %arg1[%get3A_114, %get3A_115, %get3A_116] : memref<8x5x128xf32, #tpu.memory_space<vmem>>, vector<8x1x128xf32>
      %get3A_118 = vector.shape_cast %get3A_117 : vector<8x1x128xf32> to vector<8x128xf32>
      %mul3A_119 = vector.broadcast %broadcast_in_dim3A_113 : vector<8x1xf32> to vector<8x128xf32>
      %mul3A_120 = arith.mulf %mul3A_119, %convert_element_type3A_48 : vector<8x128xf32>
      %add3A_121 = arith.addf %get3A_118, %mul3A_120 : vector<8x128xf32>
      %swap3A_122 = arith.constant 0 : index
      %swap3A_123 = arith.constant 3 : index
      %swap3A_124 = arith.constant 0 : index
      %swap3A_125 = vector.load %arg1[%swap3A_122, %swap3A_123, %swap3A_124] : memref<8x5x128xf32, #tpu.memory_space<vmem>>, vector<8x1x128xf32>
      %swap3A_126 = vector.shape_cast %swap3A_125 : vector<8x1x128xf32> to vector<8x128xf32>
      %swap3A_127 = vector.shape_cast %add3A_121 : vector<8x128xf32> to vector<8x1x128xf32>
      tpu.vector_store %arg1[%swap3A_122, %swap3A_123, %swap3A_124], %swap3A_127 {strides = array<i32>} : memref<8x5x128xf32, #tpu.memory_space<vmem>>, vector<8x1x128xf32>,
      %sub3A_128 = vector.broadcast %broadcast_in_dim3A_113 : vector<8x1xf32> to vector<8x512xf32>
      %sub3A_129 = arith.subf %get3A_18, %sub3A_128 : vector<8x512xf32>
      %mul3A_130 = arith.mulf %sub3A_129, %sub3A_129 : vector<8x512xf32>
      %add3A_131 = arith.addf %add3A_109, %mul3A_130 : vector<8x512xf32>
      %mul3A_132 = arith.mulf %get3A_23, %convert_element_type3A_44 : vector<8x512xf32>
      %reduce_sum3A_133 = arith.constant dense<0.000000e+00> : vector<8xf32>
      %reduce_sum3A_134 = vector.multi_reduction <add>, %mul3A_132, %reduce_sum3A_133 [1] : vector<8x512xf32> to vector<8xf32>
      %broadcast_in_dim3A_135 = vector.shape_cast %reduce_sum3A_134 : vector<8xf32> to vector<8x1xf32>
      %get3A_136 = arith.constant 0 : index
      %get3A_137 = arith.constant 4 : index
      %get3A_138 = arith.constant 0 : index
      %get3A_139 = vector.load %arg1[%get3A_136, %get3A_137, %get3A_138] : memref<8x5x128xf32, #tpu.memory_space<vmem>>, vector<8x1x128xf32>
      %get3A_140 = vector.shape_cast %get3A_139 : vector<8x1x128xf32> to vector<8x128xf32>
      %mul3A_141 = vector.broadcast %broadcast_in_dim3A_135 : vector<8x1xf32> to vector<8x128xf32>
      %mul3A_142 = arith.mulf %mul3A_141, %convert_element_type3A_48 : vector<8x128xf32>
      %add3A_143 = arith.addf %get3A_140, %mul3A_142 : vector<8x128xf32>
      %swap3A_144 = arith.constant 0 : index
      %swap3A_145 = arith.constant 4 : index
      %swap3A_146 = arith.constant 0 : index
      %swap3A_147 = vector.load %arg1[%swap3A_144, %swap3A_145, %swap3A_146] : memref<8x5x128xf32, #tpu.memory_space<vmem>>, vector<8x1x128xf32>
      %swap3A_148 = vector.shape_cast %swap3A_147 : vector<8x1x128xf32> to vector<8x128xf32>
      %swap3A_149 = vector.shape_cast %add3A_143 : vector<8x128xf32> to vector<8x1x128xf32>
      tpu.vector_store %arg1[%swap3A_144, %swap3A_145, %swap3A_146], %swap3A_149 {strides = array<i32>} : memref<8x5x128xf32, #tpu.memory_space<vmem>>, vector<8x1x128xf32>,
      %sub3A_150 = vector.broadcast %broadcast_in_dim3A_135 : vector<8x1xf32> to vector<8x512xf32>
      %sub3A_151 = arith.subf %get3A_23, %sub3A_150 : vector<8x512xf32>
      %mul3A_152 = arith.mulf %sub3A_151, %sub3A_151 : vector<8x512xf32>
      %add3A_153 = arith.addf %add3A_131, %mul3A_152 : vector<8x512xf32>
      %get3A_154 = arith.constant 0 : index
      %get3A_155 = arith.constant 0 : index
      %get3A_156 = vector.load %arg2[%get3A_154, %get3A_155] : memref<8x512xf32, #tpu.memory_space<vmem>>, vector<8x512xf32>
      %min3A = arith.minimumf %get3A_156, %add3A_153 : vector<8x512xf32>
      %swap3A_157 = arith.constant 0 : index
      %swap3A_158 = arith.constant 0 : index
      %swap3A_159 = vector.load %arg2[%swap3A_157, %swap3A_158] : memref<8x512xf32, #tpu.memory_space<vmem>>, vector<8x512xf32>
      tpu.vector_store %arg2[%swap3A_157, %swap3A_158], %min3A {strides = array<i32>} : memref<8x512xf32, #tpu.memory_space<vmem>>, vector<8x512xf32>,
      %reduce_max3A = arith.constant dense<0xFF800000> : vector<8xf32>
      %reduce_max3A_160 = vector.multi_reduction <maximumf>, %min3A, %reduce_max3A [1] : vector<8x512xf32> to vector<8xf32>
      %broadcast_in_dim3A_161 = vector.shape_cast %reduce_max3A_160 : vector<8xf32> to vector<8x1xf32>
      %eq3A_162 = vector.broadcast %broadcast_in_dim3A_161 : vector<8x1xf32> to vector<8x512xf32>
      %eq3A_163 = arith.cmpf oeq, %min3A, %eq3A_162 : vector<8x512xf32>
      %jit3A = arith.constant 512 : i32
      %broadcast_in_dim3A_164 = vector.broadcast %jit3A : i32 to vector<8x512xi32>
      %select_n3A = arith.select %eq3A_163, %iota3A, %broadcast_in_dim3A_164 : vector<8x512xi1>, vector<8x512xi32>
      %reduce_min3A = arith.constant dense<2147483647> : vector<8xi32>
      %reduce_min3A_165 = vector.multi_reduction <minsi>, %select_n3A, %reduce_min3A [1] : vector<8x512xi32> to vector<8xi32>
      %broadcast_in_dim3A_166 = vector.shape_cast %reduce_min3A_165 : vector<8xi32> to vector<8x1xi32>
      scf.yield %broadcast_in_dim3A_166 : vector<8x1xi32>
    }
    %scan3A_40 = arith.constant 128 : i32
    return
  }
}

module attributes {stable_mosaic.version = 14 : i64} {
  func.func @_mlp_pool_body(%arg0: i32, %arg1: i32, %arg2: memref<1x64x5xf32, #tpu.memory_space<vmem>>, %arg3: memref<1x2048x128xf32, #tpu.memory_space<vmem>>, %arg4: memref<5x64xf32, #tpu.memory_space<vmem>>, %arg5: memref<1x64xf32, #tpu.memory_space<vmem>>, %arg6: memref<64x64xf32, #tpu.memory_space<vmem>>, %arg7: memref<1x64xf32, #tpu.memory_space<vmem>>, %arg8: memref<64x128xf32, #tpu.memory_space<vmem>>, %arg9: memref<1x128xf32, #tpu.memory_space<vmem>>, %arg10: memref<1x64x128xf32, #tpu.memory_space<vmem>>) attributes {dimension_semantics = [#tpu.dimension_semantics<arbitrary>, #tpu.dimension_semantics<arbitrary>], iteration_bounds = array<i64: 8, 8>, scalar_prefetch = 0 : i64, scratch_operands = 0 : i64, tpu.core_type = #tpu.core_type<tc>, window_params = [{transform_indices = @transform_0, window_bounds = array<i64: 1, 64, 5>}, {transform_indices = @transform_1, window_bounds = array<i64: 1, 2048, 128>}, {pipeline_mode = #tpu.pipeline_mode<synchronous>, transform_indices = @transform_2, window_bounds = array<i64: 5, 64>}, {pipeline_mode = #tpu.pipeline_mode<synchronous>, transform_indices = @transform_3, window_bounds = array<i64: 1, 64>}, {pipeline_mode = #tpu.pipeline_mode<synchronous>, transform_indices = @transform_4, window_bounds = array<i64: 64, 64>}, {pipeline_mode = #tpu.pipeline_mode<synchronous>, transform_indices = @transform_5, window_bounds = array<i64: 1, 64>}, {pipeline_mode = #tpu.pipeline_mode<synchronous>, transform_indices = @transform_6, window_bounds = array<i64: 64, 128>}, {pipeline_mode = #tpu.pipeline_mode<synchronous>, transform_indices = @transform_7, window_bounds = array<i64: 1, 128>}, {transform_indices = @transform_8, window_bounds = array<i64: 1, 64, 128>}]} {
    %get3A = arith.constant 0 : index
    %get3A_0 = arith.constant 0 : index
    %get3A_1 = arith.constant 0 : index
    %get3A_2 = vector.load %arg3[%get3A, %get3A_0, %get3A_1] : memref<1x2048x128xf32, #tpu.memory_space<vmem>>, vector<1x2048x128xf32>
    %get3A_3 = vector.shape_cast %get3A_2 : vector<1x2048x128xf32> to vector<2048x128xf32>
    %slice3A = vector.extract_strided_slice %get3A_3 {offsets = [0, 0], sizes = [2048, 64], strides = [1, 1]} : vector<2048x128xf32> to vector<2048x64xf32>
    %get3A_4 = arith.constant 0 : index
    %get3A_5 = arith.constant 0 : index
    %get3A_6 = arith.constant 0 : index
    %get3A_7 = vector.load %arg2[%get3A_4, %get3A_5, %get3A_6] : memref<1x64x5xf32, #tpu.memory_space<vmem>>, vector<1x64x5xf32>
    %get3A_8 = vector.shape_cast %get3A_7 : vector<1x64x5xf32> to vector<64x5xf32>
    %get3A_9 = arith.constant 0 : index
    %get3A_10 = arith.constant 0 : index
    %get3A_11 = vector.load %arg4[%get3A_9, %get3A_10] : memref<5x64xf32, #tpu.memory_space<vmem>>, vector<5x64xf32>
    %dot_general3A = arith.constant dense<0.000000e+00> : vector<64x64xf32>
    %dot_general3A_12 = tpu.matmul %get3A_8, %get3A_11, %dot_general3A {dimension_numbers = #tpu.dot_dimension_numbers<[1], [0], [0], [1], [0, 0, 1, 1], [], []>, transpose_lhs_hint = false} : vector<64x5xf32>, vector<5x64xf32>, vector<64x64xf32> -> vector<64x64xf32>
    %reshape3A = vector.shape_cast %slice3A : vector<2048x64xf32> to vector<64x32x64xf32>
    %broadcast_in_dim3A = vector.shape_cast %dot_general3A_12 : vector<64x64xf32> to vector<64x1x64xf32>
    %sub3A = vector.broadcast %broadcast_in_dim3A : vector<64x1x64xf32> to vector<64x32x64xf32>
    %sub3A_13 = arith.subf %reshape3A, %sub3A : vector<64x32x64xf32>
    %get3A_14 = arith.constant 0 : index
    %get3A_15 = arith.constant 0 : index
    %get3A_16 = vector.load %arg5[%get3A_14, %get3A_15] : memref<1x64xf32, #tpu.memory_space<vmem>>, vector<1x64xf32>
    %broadcast_in_dim3A_17 = vector.shape_cast %get3A_16 : vector<1x64xf32> to vector<1x1x64xf32>
    %add3A = vector.broadcast %broadcast_in_dim3A_17 : vector<1x1x64xf32> to vector<64x32x64xf32>
    %add3A_18 = arith.addf %sub3A_13, %add3A : vector<64x32x64xf32>
    %max3A = arith.constant 0.000000e+00 : f32
    %max3A_19 = vector.broadcast %max3A : f32 to vector<64x32x64xf32>
    %max3A_20 = arith.maximumf %add3A_18, %max3A_19 : vector<64x32x64xf32>
    %reshape3A_21 = vector.shape_cast %max3A_20 : vector<64x32x64xf32> to vector<2048x64xf32>
    %get3A_22 = arith.constant 0 : index
    %get3A_23 = arith.constant 0 : index
    %get3A_24 = vector.load %arg6[%get3A_22, %get3A_23] : memref<64x64xf32, #tpu.memory_space<vmem>>, vector<64x64xf32>
    %dot_general3A_25 = arith.constant dense<0.000000e+00> : vector<2048x64xf32>
    %dot_general3A_26 = tpu.matmul %reshape3A_21, %get3A_24, %dot_general3A_25 {dimension_numbers = #tpu.dot_dimension_numbers<[1], [0], [0], [1], [0, 0, 1, 1], [], []>, transpose_lhs_hint = false} : vector<2048x64xf32>, vector<64x64xf32>, vector<2048x64xf32> -> vector<2048x64xf32>
    %get3A_27 = arith.constant 0 : index
    %get3A_28 = arith.constant 0 : index
    %get3A_29 = vector.load %arg7[%get3A_27, %get3A_28] : memref<1x64xf32, #tpu.memory_space<vmem>>, vector<1x64xf32>
    %add3A_30 = vector.broadcast %get3A_29 : vector<1x64xf32> to vector<2048x64xf32>
    %add3A_31 = arith.addf %dot_general3A_26, %add3A_30 : vector<2048x64xf32>
    %max3A_32 = arith.constant 0.000000e+00 : f32
    %max3A_33 = vector.broadcast %max3A_32 : f32 to vector<2048x64xf32>
    %max3A_34 = arith.maximumf %add3A_31, %max3A_33 : vector<2048x64xf32>
    %get3A_35 = arith.constant 0 : index
    %get3A_36 = arith.constant 0 : index
    %get3A_37 = vector.load %arg8[%get3A_35, %get3A_36] : memref<64x128xf32, #tpu.memory_space<vmem>>, vector<64x128xf32>
    %dot_general3A_38 = arith.constant dense<0.000000e+00> : vector<2048x128xf32>
    %dot_general3A_39 = tpu.matmul %max3A_34, %get3A_37, %dot_general3A_38 {dimension_numbers = #tpu.dot_dimension_numbers<[1], [0], [0], [1], [0, 0, 1, 1], [], []>, transpose_lhs_hint = false} : vector<2048x64xf32>, vector<64x128xf32>, vector<2048x128xf32> -> vector<2048x128xf32>
    %get3A_40 = arith.constant 0 : index
    %get3A_41 = arith.constant 0 : index
    %get3A_42 = vector.load %arg9[%get3A_40, %get3A_41] : memref<1x128xf32, #tpu.memory_space<vmem>>, vector<1x128xf32>
    %add3A_43 = vector.broadcast %get3A_42 : vector<1x128xf32> to vector<2048x128xf32>
    %add3A_44 = arith.addf %dot_general3A_39, %add3A_43 : vector<2048x128xf32>
    %max3A_45 = arith.constant 0.000000e+00 : f32
    %max3A_46 = vector.broadcast %max3A_45 : f32 to vector<2048x128xf32>
    %max3A_47 = arith.maximumf %add3A_44, %max3A_46 : vector<2048x128xf32>
    %reshape3A_48 = vector.shape_cast %max3A_47 : vector<2048x128xf32> to vector<64x32x128xf32>
    %reduce_max3A = arith.constant dense<0xFF800000> : vector<64x128xf32>
    %reduce_max3A_49 = vector.multi_reduction <maximumf>, %reshape3A_48, %reduce_max3A [1] : vector<64x32x128xf32> to vector<64x128xf32>
    %swap3A = arith.constant 0 : index
    %swap3A_50 = arith.constant 0 : index
    %swap3A_51 = arith.constant 0 : index
    %swap3A_52 = vector.load %arg10[%swap3A, %swap3A_50, %swap3A_51] : memref<1x64x128xf32, #tpu.memory_space<vmem>>, vector<1x64x128xf32>
    %swap3A_53 = vector.shape_cast %swap3A_52 : vector<1x64x128xf32> to vector<64x128xf32>
    %swap3A_54 = vector.shape_cast %reduce_max3A_49 : vector<64x128xf32> to vector<1x64x128xf32>
    tpu.vector_store %arg10[%swap3A, %swap3A_50, %swap3A_51], %swap3A_54 {strides = array<i32>} : memref<1x64x128xf32, #tpu.memory_space<vmem>>, vector<1x64x128xf32>,
    return
  }
  func.func @transform_0(%arg0: i32, %arg1: i32) -> (i32, i32, i32) {
    %c0_i32 = arith.constant 0 : i32
    %c0_i32_0 = arith.constant 0 : i32
    return %arg0, %arg1, %c0_i32 : i32, i32, i32
  }
  func.func @transform_1(%arg0: i32, %arg1: i32) -> (i32, i32, i32) {
    %c0_i32 = arith.constant 0 : i32
    %c0_i32_0 = arith.constant 0 : i32
    return %arg0, %arg1, %c0_i32 : i32, i32, i32
  }
  func.func @transform_2(%arg0: i32, %arg1: i32) -> (i32, i32) {
    %c0_i32 = arith.constant 0 : i32
    %c0_i32_0 = arith.constant 0 : i32
    %c0_i32_1 = arith.constant 0 : i32
    return %c0_i32, %c0_i32_0 : i32, i32
  }
  func.func @transform_3(%arg0: i32, %arg1: i32) -> (i32, i32) {
    %c0_i32 = arith.constant 0 : i32
    %c0_i32_0 = arith.constant 0 : i32
    %c0_i32_1 = arith.constant 0 : i32
    return %c0_i32, %c0_i32_0 : i32, i32
  }
  func.func @transform_4(%arg0: i32, %arg1: i32) -> (i32, i32) {
    %c0_i32 = arith.constant 0 : i32
    %c0_i32_0 = arith.constant 0 : i32
    %c0_i32_1 = arith.constant 0 : i32
    return %c0_i32, %c0_i32_0 : i32, i32
  }
  func.func @transform_5(%arg0: i32, %arg1: i32) -> (i32, i32) {
    %c0_i32 = arith.constant 0 : i32
    %c0_i32_0 = arith.constant 0 : i32
    %c0_i32_1 = arith.constant 0 : i32
    return %c0_i32, %c0_i32_0 : i32, i32
  }
  func.func @transform_6(%arg0: i32, %arg1: i32) -> (i32, i32) {
    %c0_i32 = arith.constant 0 : i32
    %c0_i32_0 = arith.constant 0 : i32
    %c0_i32_1 = arith.constant 0 : i32
    return %c0_i32, %c0_i32_0 : i32, i32
  }
  func.func @transform_7(%arg0: i32, %arg1: i32) -> (i32, i32) {
    %c0_i32 = arith.constant 0 : i32
    %c0_i32_0 = arith.constant 0 : i32
    %c0_i32_1 = arith.constant 0 : i32
    return %c0_i32, %c0_i32_0 : i32, i32
  }
  func.func @transform_8(%arg0: i32, %arg1: i32) -> (i32, i32, i32) {
    %c0_i32 = arith.constant 0 : i32
    %c0_i32_0 = arith.constant 0 : i32
    return %arg0, %arg1, %c0_i32 : i32, i32, i32
  }
}

module attributes {stable_mosaic.version = 14 : i64} {
  func.func @_bq_mlp_body(%arg0: i32, %arg1: i32, %arg2: memref<1x64x5xf32, #tpu.memory_space<vmem>>, %arg3: memref<1x5x512xf32, #tpu.memory_space<vmem>>, %arg4: memref<1x512x133xf32, #tpu.memory_space<vmem>>, %arg5: memref<133x128xf32, #tpu.memory_space<vmem>>, %arg6: memref<5x128xf32, #tpu.memory_space<vmem>>, %arg7: memref<1x128xf32, #tpu.memory_space<vmem>>, %arg8: memref<128x128xf32, #tpu.memory_space<vmem>>, %arg9: memref<1x128xf32, #tpu.memory_space<vmem>>, %arg10: memref<128x256xf32, #tpu.memory_space<vmem>>, %arg11: memref<1x256xf32, #tpu.memory_space<vmem>>, %arg12: memref<1x64x256xf32, #tpu.memory_space<vmem>>, %arg13: memref<512x128xf32, #tpu.memory_space<vmem>>, %arg14: memref<1x512xf32, #tpu.memory_space<vmem>>) attributes {dimension_semantics = [#tpu.dimension_semantics<arbitrary>, #tpu.dimension_semantics<arbitrary>], iteration_bounds = array<i64: 8, 2>, scalar_prefetch = 0 : i64, scratch_operands = 2 : i64, tpu.core_type = #tpu.core_type<tc>, window_params = [{transform_indices = @transform_0, window_bounds = array<i64: 1, 64, 5>}, {transform_indices = @transform_1, window_bounds = array<i64: 1, 5, 512>}, {transform_indices = @transform_2, window_bounds = array<i64: 1, 512, 133>}, {pipeline_mode = #tpu.pipeline_mode<synchronous>, transform_indices = @transform_3, window_bounds = array<i64: 133, 128>}, {pipeline_mode = #tpu.pipeline_mode<synchronous>, transform_indices = @transform_4, window_bounds = array<i64: 5, 128>}, {pipeline_mode = #tpu.pipeline_mode<synchronous>, transform_indices = @transform_5, window_bounds = array<i64: 1, 128>}, {pipeline_mode = #tpu.pipeline_mode<synchronous>, transform_indices = @transform_6, window_bounds = array<i64: 128, 128>}, {pipeline_mode = #tpu.pipeline_mode<synchronous>, transform_indices = @transform_7, window_bounds = array<i64: 1, 128>}, {pipeline_mode = #tpu.pipeline_mode<synchronous>, transform_indices = @transform_8, window_bounds = array<i64: 128, 256>}, {pipeline_mode = #tpu.pipeline_mode<synchronous>, transform_indices = @transform_9, window_bounds = array<i64: 1, 256>}, {transform_indices = @transform_10, window_bounds = array<i64: 1, 64, 256>}]} {
    %get3A = arith.constant 0 : index
    %get3A_0 = arith.constant 0 : index
    %get3A_1 = arith.constant 0 : index
    %get3A_2 = vector.load %arg3[%get3A, %get3A_0, %get3A_1] : memref<1x5x512xf32, #tpu.memory_space<vmem>>, vector<1x5x512xf32>
    %get3A_3 = vector.shape_cast %get3A_2 : vector<1x5x512xf32> to vector<5x512xf32>
    %eq3A = arith.constant 0 : i32
    %eq3A_4 = arith.cmpi eq, %arg1, %eq3A : i32
    %convert_element_type3A = arith.extui %eq3A_4 : i1 to i32
    %cond3A = arith.constant 0 : i32
    %cond3A_5 = arith.cmpi ne, %convert_element_type3A, %cond3A : i32
    scf.if %cond3A_5 {
      %get3A_141 = arith.constant 0 : index
      %get3A_142 = arith.constant 0 : index
      %get3A_143 = arith.constant 0 : index
      %get3A_144 = vector.load %arg4[%get3A_141, %get3A_142, %get3A_143] : memref<1x512x133xf32, #tpu.memory_space<vmem>>, vector<1x512x133xf32>
      %get3A_145 = vector.shape_cast %get3A_144 : vector<1x512x133xf32> to vector<512x133xf32>
      %get3A_146 = arith.constant 0 : index
      %get3A_147 = arith.constant 0 : index
      %get3A_148 = vector.load %arg5[%get3A_146, %get3A_147] : memref<133x128xf32, #tpu.memory_space<vmem>>, vector<133x128xf32>
      %dot_general3A_149 = arith.constant dense<0.000000e+00> : vector<512x128xf32>
      %dot_general3A_150 = tpu.matmul %get3A_145, %get3A_148, %dot_general3A_149 {dimension_numbers = #tpu.dot_dimension_numbers<[1], [0], [0], [1], [0, 0, 1, 1], [], []>, transpose_lhs_hint = false} : vector<512x133xf32>, vector<133x128xf32>, vector<512x128xf32> -> vector<512x128xf32>
      %swap3A_151 = arith.constant 0 : index
      %swap3A_152 = arith.constant 0 : index
      %swap3A_153 = vector.load %arg13[%swap3A_151, %swap3A_152] : memref<512x128xf32, #tpu.memory_space<vmem>>, vector<512x128xf32>
      tpu.vector_store %arg13[%swap3A_151, %swap3A_152], %dot_general3A_150 {strides = array<i32>} : memref<512x128xf32, #tpu.memory_space<vmem>>, vector<512x128xf32>,
      %mul3A_154 = arith.mulf %get3A_3, %get3A_3 : vector<5x512xf32>
      %reduce_sum3A_155 = arith.constant dense<0.000000e+00> : vector<512xf32>
      %reduce_sum3A_156 = vector.multi_reduction <add>, %mul3A_154, %reduce_sum3A_155 [0] : vector<5x512xf32> to vector<512xf32>
      %broadcast_in_dim3A_157 = vector.shape_cast %reduce_sum3A_156 : vector<512xf32> to vector<1x512xf32>
      %swap3A_158 = arith.constant 0 : index
      %swap3A_159 = arith.constant 0 : index
      %swap3A_160 = vector.load %arg14[%swap3A_158, %swap3A_159] : memref<1x512xf32, #tpu.memory_space<vmem>>, vector<1x512xf32>
      tpu.vector_store %arg14[%swap3A_158, %swap3A_159], %broadcast_in_dim3A_157 {strides = array<i32>} : memref<1x512xf32, #tpu.memory_space<vmem>>, vector<1x512xf32>,
    } else {
    }
    %get3A_6 = arith.constant 0 : index
    %get3A_7 = arith.constant 0 : index
    %get3A_8 = arith.constant 0 : index
    %get3A_9 = vector.load %arg2[%get3A_6, %get3A_7, %get3A_8] : memref<1x64x5xf32, #tpu.memory_space<vmem>>, vector<1x64x5xf32>
    %get3A_10 = vector.shape_cast %get3A_9 : vector<1x64x5xf32> to vector<64x5xf32>
    %get3A_11 = arith.constant 0 : index
    %get3A_12 = arith.constant 0 : index
    %get3A_13 = vector.load %arg14[%get3A_11, %get3A_12] : memref<1x512xf32, #tpu.memory_space<vmem>>, vector<1x512xf32>
    %mul3A = arith.mulf %get3A_10, %get3A_10 : vector<64x5xf32>
    %reduce_sum3A = arith.constant dense<0.000000e+00> : vector<64xf32>
    %reduce_sum3A_14 = vector.multi_reduction <add>, %mul3A, %reduce_sum3A [1] : vector<64x5xf32> to vector<64xf32>
    %broadcast_in_dim3A = vector.shape_cast %reduce_sum3A_14 : vector<64xf32> to vector<64x1xf32>
    %dot_general3A = arith.constant dense<0.000000e+00> : vector<64x512xf32>
    %dot_general3A_15 = tpu.matmul %get3A_10, %get3A_3, %dot_general3A {dimension_numbers = #tpu.dot_dimension_numbers<[1], [0], [0], [1], [0, 0, 1, 1], [], []>, transpose_lhs_hint = false} : vector<64x5xf32>, vector<5x512xf32>, vector<64x512xf32> -> vector<64x512xf32>
    %add3A = vector.broadcast %broadcast_in_dim3A : vector<64x1xf32> to vector<64x512xf32>
    %add3A_16 = vector.broadcast %get3A_13 : vector<1x512xf32> to vector<64x512xf32>
    %add3A_17 = arith.addf %add3A, %add3A_16 : vector<64x512xf32>
    %mul3A_18 = arith.constant 2.000000e+00 : f32
    %mul3A_19 = vector.broadcast %mul3A_18 : f32 to vector<64x512xf32>
    %mul3A_20 = arith.mulf %mul3A_19, %dot_general3A_15 : vector<64x512xf32>
    %sub3A = arith.subf %add3A_17, %mul3A_20 : vector<64x512xf32>
    %le3A = arith.constant 1.600000e-01 : f32
    %le3A_21 = vector.broadcast %le3A : f32 to vector<64x512xf32>
    %le3A_22 = arith.cmpf ole, %sub3A, %le3A_21 : vector<64x512xf32>
    %convert_element_type3A_23 = arith.extui %le3A_22 : vector<64x512xi1> to vector<64x512xi32>
    %broadcast_in_dim3A_24 = arith.constant 0 : i32
    %broadcast_in_dim3A_25 = vector.broadcast %broadcast_in_dim3A_24 : i32 to vector<64x1xi32>
    %slice3A = vector.extract_strided_slice %convert_element_type3A_23 {offsets = [0, 0], sizes = [64, 511], strides = [1, 1]} : vector<64x512xi32> to vector<64x511xi32>
    %concatenate3A = tpu.concatenate %broadcast_in_dim3A_25, %slice3A in 1 : vector<64x1xi32>, vector<64x511xi32> -> vector<64x512xi32>
    %add3A_26 = arith.addi %convert_element_type3A_23, %concatenate3A : vector<64x512xi32>
    %broadcast_in_dim3A_27 = arith.constant 0 : i32
    %broadcast_in_dim3A_28 = vector.broadcast %broadcast_in_dim3A_27 : i32 to vector<64x2xi32>
    %slice3A_29 = vector.extract_strided_slice %add3A_26 {offsets = [0, 0], sizes = [64, 510], strides = [1, 1]} : vector<64x512xi32> to vector<64x510xi32>
    %concatenate3A_30 = tpu.concatenate %broadcast_in_dim3A_28, %slice3A_29 in 1 : vector<64x2xi32>, vector<64x510xi32> -> vector<64x512xi32>
    %add3A_31 = arith.addi %add3A_26, %concatenate3A_30 : vector<64x512xi32>
    %broadcast_in_dim3A_32 = arith.constant 0 : i32
    %broadcast_in_dim3A_33 = vector.broadcast %broadcast_in_dim3A_32 : i32 to vector<64x4xi32>
    %slice3A_34 = vector.extract_strided_slice %add3A_31 {offsets = [0, 0], sizes = [64, 508], strides = [1, 1]} : vector<64x512xi32> to vector<64x508xi32>
    %concatenate3A_35 = tpu.concatenate %broadcast_in_dim3A_33, %slice3A_34 in 1 : vector<64x4xi32>, vector<64x508xi32> -> vector<64x512xi32>
    %add3A_36 = arith.addi %add3A_31, %concatenate3A_35 : vector<64x512xi32>
    %broadcast_in_dim3A_37 = arith.constant 0 : i32
    %broadcast_in_dim3A_38 = vector.broadcast %broadcast_in_dim3A_37 : i32 to vector<64x8xi32>
    %slice3A_39 = vector.extract_strided_slice %add3A_36 {offsets = [0, 0], sizes = [64, 504], strides = [1, 1]} : vector<64x512xi32> to vector<64x504xi32>
    %concatenate3A_40 = tpu.concatenate %broadcast_in_dim3A_38, %slice3A_39 in 1 : vector<64x8xi32>, vector<64x504xi32> -> vector<64x512xi32>
    %add3A_41 = arith.addi %add3A_36, %concatenate3A_40 : vector<64x512xi32>
    %broadcast_in_dim3A_42 = arith.constant 0 : i32
    %broadcast_in_dim3A_43 = vector.broadcast %broadcast_in_dim3A_42 : i32 to vector<64x16xi32>
    %slice3A_44 = vector.extract_strided_slice %add3A_41 {offsets = [0, 0], sizes = [64, 496], strides = [1, 1]} : vector<64x512xi32> to vector<64x496xi32>
    %concatenate3A_45 = tpu.concatenate %broadcast_in_dim3A_43, %slice3A_44 in 1 : vector<64x16xi32>, vector<64x496xi32> -> vector<64x512xi32>
    %add3A_46 = arith.addi %add3A_41, %concatenate3A_45 : vector<64x512xi32>
    %broadcast_in_dim3A_47 = arith.constant 0 : i32
    %broadcast_in_dim3A_48 = vector.broadcast %broadcast_in_dim3A_47 : i32 to vector<64x32xi32>
    %slice3A_49 = vector.extract_strided_slice %add3A_46 {offsets = [0, 0], sizes = [64, 480], strides = [1, 1]} : vector<64x512xi32> to vector<64x480xi32>
    %concatenate3A_50 = tpu.concatenate %broadcast_in_dim3A_48, %slice3A_49 in 1 : vector<64x32xi32>, vector<64x480xi32> -> vector<64x512xi32>
    %add3A_51 = arith.addi %add3A_46, %concatenate3A_50 : vector<64x512xi32>
    %broadcast_in_dim3A_52 = arith.constant 0 : i32
    %broadcast_in_dim3A_53 = vector.broadcast %broadcast_in_dim3A_52 : i32 to vector<64x64xi32>
    %slice3A_54 = vector.extract_strided_slice %add3A_51 {offsets = [0, 0], sizes = [64, 448], strides = [1, 1]} : vector<64x512xi32> to vector<64x448xi32>
    %concatenate3A_55 = tpu.concatenate %broadcast_in_dim3A_53, %slice3A_54 in 1 : vector<64x64xi32>, vector<64x448xi32> -> vector<64x512xi32>
    %add3A_56 = arith.addi %add3A_51, %concatenate3A_55 : vector<64x512xi32>
    %broadcast_in_dim3A_57 = arith.constant 0 : i32
    %broadcast_in_dim3A_58 = vector.broadcast %broadcast_in_dim3A_57 : i32 to vector<64x128xi32>
    %slice3A_59 = vector.extract_strided_slice %add3A_56 {offsets = [0, 0], sizes = [64, 384], strides = [1, 1]} : vector<64x512xi32> to vector<64x384xi32>
    %concatenate3A_60 = tpu.concatenate %broadcast_in_dim3A_58, %slice3A_59 in 1 : vector<64x128xi32>, vector<64x384xi32> -> vector<64x512xi32>
    %add3A_61 = arith.addi %add3A_56, %concatenate3A_60 : vector<64x512xi32>
    %broadcast_in_dim3A_62 = arith.constant 0 : i32
    %broadcast_in_dim3A_63 = vector.broadcast %broadcast_in_dim3A_62 : i32 to vector<64x256xi32>
    %slice3A_64 = vector.extract_strided_slice %add3A_61 {offsets = [0, 0], sizes = [64, 256], strides = [1, 1]} : vector<64x512xi32> to vector<64x256xi32>
    %concatenate3A_65 = tpu.concatenate %broadcast_in_dim3A_63, %slice3A_64 in 1 : vector<64x256xi32>, vector<64x256xi32> -> vector<64x512xi32>
    %add3A_66 = arith.addi %add3A_61, %concatenate3A_65 : vector<64x512xi32>
    %jit3A = arith.constant 0 : i32
    %broadcast_in_dim3A_67 = vector.broadcast %jit3A : i32 to vector<64x512xi32>
    %select_n3A = arith.select %le3A_22, %add3A_66, %broadcast_in_dim3A_67 : vector<64x512xi1>, vector<64x512xi32>
    %slice3A_68 = vector.extract_strided_slice %add3A_66 {offsets = [0, 511], sizes = [64, 1], strides = [1, 1]} : vector<64x512xi32> to vector<64x1xi32>
    %iota3A = tpu.iota {dimensions = array<i32: 1>} : vector<64x64x512xi32>
    %add3A_69 = arith.constant 1 : i32
    %add3A_70 = vector.broadcast %add3A_69 : i32 to vector<64x64x512xi32>
    %add3A_71 = arith.addi %iota3A, %add3A_70 : vector<64x64x512xi32>
    %broadcast_in_dim3A_72 = vector.shape_cast %select_n3A : vector<64x512xi32> to vector<64x1x512xi32>
    %eq3A_73 = vector.broadcast %broadcast_in_dim3A_72 : vector<64x1x512xi32> to vector<64x64x512xi32>
    %eq3A_74 = arith.cmpi eq, %eq3A_73, %add3A_71 : vector<64x64x512xi32>
    %convert_element_type3A_75 = arith.extui %eq3A_74 : vector<64x64x512xi1> to vector<64x64x512xi32>
    %convert_element_type3A_76 = arith.sitofp %convert_element_type3A_75 : vector<64x64x512xi32> to vector<64x64x512xf32>
    %reshape3A = vector.shape_cast %convert_element_type3A_76 : vector<64x64x512xf32> to vector<4096x512xf32>
    %get3A_77 = arith.constant 0 : index
    %get3A_78 = arith.constant 0 : index
    %get3A_79 = vector.load %arg13[%get3A_77, %get3A_78] : memref<512x128xf32, #tpu.memory_space<vmem>>, vector<512x128xf32>
    %dot_general3A_80 = arith.constant dense<0.000000e+00> : vector<4096x128xf32>
    %dot_general3A_81 = tpu.matmul %reshape3A, %get3A_79, %dot_general3A_80 {dimension_numbers = #tpu.dot_dimension_numbers<[1], [0], [0], [1], [0, 0, 1, 1], [], []>, transpose_lhs_hint = false} : vector<4096x512xf32>, vector<512x128xf32>, vector<4096x128xf32> -> vector<4096x128xf32>
    %get3A_82 = arith.constant 0 : index
    %get3A_83 = arith.constant 0 : index
    %get3A_84 = vector.load %arg6[%get3A_82, %get3A_83] : memref<5x128xf32, #tpu.memory_space<vmem>>, vector<5x128xf32>
    %dot_general3A_85 = arith.constant dense<0.000000e+00> : vector<64x128xf32>
    %dot_general3A_86 = tpu.matmul %get3A_10, %get3A_84, %dot_general3A_85 {dimension_numbers = #tpu.dot_dimension_numbers<[1], [0], [0], [1], [0, 0, 1, 1], [], []>, transpose_lhs_hint = false} : vector<64x5xf32>, vector<5x128xf32>, vector<64x128xf32> -> vector<64x128xf32>
    %reshape3A_87 = vector.shape_cast %dot_general3A_81 : vector<4096x128xf32> to vector<64x64x128xf32>
    %broadcast_in_dim3A_88 = vector.shape_cast %dot_general3A_86 : vector<64x128xf32> to vector<64x1x128xf32>
    %sub3A_89 = vector.broadcast %broadcast_in_dim3A_88 : vector<64x1x128xf32> to vector<64x64x128xf32>
    %sub3A_90 = arith.subf %reshape3A_87, %sub3A_89 : vector<64x64x128xf32>
    %get3A_91 = arith.constant 0 : index
    %get3A_92 = arith.constant 0 : index
    %get3A_93 = vector.load %arg7[%get3A_91, %get3A_92] : memref<1x128xf32, #tpu.memory_space<vmem>>, vector<1x128xf32>
    %broadcast_in_dim3A_94 = vector.shape_cast %get3A_93 : vector<1x128xf32> to vector<1x1x128xf32>
    %add3A_95 = vector.broadcast %broadcast_in_dim3A_94 : vector<1x1x128xf32> to vector<64x64x128xf32>
    %add3A_96 = arith.addf %sub3A_90, %add3A_95 : vector<64x64x128xf32>
    %max3A = arith.constant 0.000000e+00 : f32
    %max3A_97 = vector.broadcast %max3A : f32 to vector<64x64x128xf32>
    %max3A_98 = arith.maximumf %add3A_96, %max3A_97 : vector<64x64x128xf32>
    %reshape3A_99 = vector.shape_cast %max3A_98 : vector<64x64x128xf32> to vector<4096x128xf32>
    %get3A_100 = arith.constant 0 : index
    %get3A_101 = arith.constant 0 : index
    %get3A_102 = vector.load %arg8[%get3A_100, %get3A_101] : memref<128x128xf32, #tpu.memory_space<vmem>>, vector<128x128xf32>
    %dot_general3A_103 = arith.constant dense<0.000000e+00> : vector<4096x128xf32>
    %dot_general3A_104 = tpu.matmul %reshape3A_99, %get3A_102, %dot_general3A_103 {dimension_numbers = #tpu.dot_dimension_numbers<[1], [0], [0], [1], [0, 0, 1, 1], [], []>, transpose_lhs_hint = false} : vector<4096x128xf32>, vector<128x128xf32>, vector<4096x128xf32> -> vector<4096x128xf32>
    %get3A_105 = arith.constant 0 : index
    %get3A_106 = arith.constant 0 : index
    %get3A_107 = vector.load %arg9[%get3A_105, %get3A_106] : memref<1x128xf32, #tpu.memory_space<vmem>>, vector<1x128xf32>
    %add3A_108 = vector.broadcast %get3A_107 : vector<1x128xf32> to vector<4096x128xf32>
    %add3A_109 = arith.addf %dot_general3A_104, %add3A_108 : vector<4096x128xf32>
    %max3A_110 = arith.constant 0.000000e+00 : f32
    %max3A_111 = vector.broadcast %max3A_110 : f32 to vector<4096x128xf32>
    %max3A_112 = arith.maximumf %add3A_109, %max3A_111 : vector<4096x128xf32>
    %get3A_113 = arith.constant 0 : index
    %get3A_114 = arith.constant 0 : index
    %get3A_115 = vector.load %arg10[%get3A_113, %get3A_114] : memref<128x256xf32, #tpu.memory_space<vmem>>, vector<128x256xf32>
    %dot_general3A_116 = arith.constant dense<0.000000e+00> : vector<4096x256xf32>
    %dot_general3A_117 = tpu.matmul %max3A_112, %get3A_115, %dot_general3A_116 {dimension_numbers = #tpu.dot_dimension_numbers<[1], [0], [0], [1], [0, 0, 1, 1], [], []>, transpose_lhs_hint = false} : vector<4096x128xf32>, vector<128x256xf32>, vector<4096x256xf32> -> vector<4096x256xf32>
    %get3A_118 = arith.constant 0 : index
    %get3A_119 = arith.constant 0 : index
    %get3A_120 = vector.load %arg11[%get3A_118, %get3A_119] : memref<1x256xf32, #tpu.memory_space<vmem>>, vector<1x256xf32>
    %add3A_121 = vector.broadcast %get3A_120 : vector<1x256xf32> to vector<4096x256xf32>
    %add3A_122 = arith.addf %dot_general3A_117, %add3A_121 : vector<4096x256xf32>
    %max3A_123 = arith.constant 0.000000e+00 : f32
    %max3A_124 = vector.broadcast %max3A_123 : f32 to vector<4096x256xf32>
    %max3A_125 = arith.maximumf %add3A_122, %max3A_124 : vector<4096x256xf32>
    %iota3A_126 = tpu.iota {dimensions = array<i32: 1>} : vector<64x64x1xi32>
    %broadcast_in_dim3A_127 = vector.shape_cast %slice3A_68 : vector<64x1xi32> to vector<64x1x1xi32>
    %lt3A = vector.broadcast %broadcast_in_dim3A_127 : vector<64x1x1xi32> to vector<64x64x1xi32>
    %lt3A_128 = arith.cmpi slt, %iota3A_126, %lt3A : vector<64x64x1xi32>
    %reshape3A_129 = vector.shape_cast %max3A_125 : vector<4096x256xf32> to vector<64x64x256xf32>
    %jit3A_130 = arith.constant -1.000000e+30 : f32
    %broadcast_in_dim3A_131 = vector.shape_cast %lt3A_128 : vector<64x64x1xi1> to vector<64x64x1xi1>
    %broadcast_in_dim3A_132 = vector.broadcast %broadcast_in_dim3A_131 : vector<64x64x1xi1> to vector<64x64x256xi1>
    %broadcast_in_dim3A_133 = vector.broadcast %jit3A_130 : f32 to vector<64x64x256xf32>
    %select_n3A_134 = arith.select %broadcast_in_dim3A_132, %reshape3A_129, %broadcast_in_dim3A_133 : vector<64x64x256xi1>, vector<64x64x256xf32>
    %reduce_max3A = arith.constant dense<0xFF800000> : vector<64x256xf32>
    %reduce_max3A_135 = vector.multi_reduction <maximumf>, %select_n3A_134, %reduce_max3A [1] : vector<64x64x256xf32> to vector<64x256xf32>
    %swap3A = arith.constant 0 : index
    %swap3A_136 = arith.constant 0 : index
    %swap3A_137 = arith.constant 0 : index
    %swap3A_138 = vector.load %arg12[%swap3A, %swap3A_136, %swap3A_137] : memref<1x64x256xf32, #tpu.memory_space<vmem>>, vector<1x64x256xf32>
    %swap3A_139 = vector.shape_cast %swap3A_138 : vector<1x64x256xf32> to vector<64x256xf32>
    %swap3A_140 = vector.shape_cast %reduce_max3A_135 : vector<64x256xf32> to vector<1x64x256xf32>
    tpu.vector_store %arg12[%swap3A, %swap3A_136, %swap3A_137], %swap3A_140 {strides = array<i32>} : memref<1x64x256xf32, #tpu.memory_space<vmem>>, vector<1x64x256xf32>,
    return
  }
  func.func @transform_0(%arg0: i32, %arg1: i32) -> (i32, i32, i32) {
    %c0_i32 = arith.constant 0 : i32
    %c0_i32_0 = arith.constant 0 : i32
    return %arg0, %arg1, %c0_i32 : i32, i32, i32
  }
  func.func @transform_1(%arg0: i32, %arg1: i32) -> (i32, i32, i32) {
    %c0_i32 = arith.constant 0 : i32
    %c0_i32_0 = arith.constant 0 : i32
    %c0_i32_1 = arith.constant 0 : i32
    return %arg0, %c0_i32, %c0_i32_0 : i32, i32, i32
  }
  func.func @transform_2(%arg0: i32, %arg1: i32) -> (i32, i32, i32) {
    %c0_i32 = arith.constant 0 : i32
    %c0_i32_0 = arith.constant 0 : i32
    %c0_i32_1 = arith.constant 0 : i32
    return %arg0, %c0_i32, %c0_i32_0 : i32, i32, i32
  }
  func.func @transform_3(%arg0: i32, %arg1: i32) -> (i32, i32) {
    %c0_i32 = arith.constant 0 : i32
    %c0_i32_0 = arith.constant 0 : i32
    %c0_i32_1 = arith.constant 0 : i32
    return %c0_i32, %c0_i32_0 : i32, i32
  }
  func.func @transform_4(%arg0: i32, %arg1: i32) -> (i32, i32) {
    %c0_i32 = arith.constant 0 : i32
    %c0_i32_0 = arith.constant 0 : i32
    %c0_i32_1 = arith.constant 0 : i32
    return %c0_i32, %c0_i32_0 : i32, i32
  }
  func.func @transform_5(%arg0: i32, %arg1: i32) -> (i32, i32) {
    %c0_i32 = arith.constant 0 : i32
    %c0_i32_0 = arith.constant 0 : i32
    %c0_i32_1 = arith.constant 0 : i32
    return %c0_i32, %c0_i32_0 : i32, i32
  }
  func.func @transform_6(%arg0: i32, %arg1: i32) -> (i32, i32) {
    %c0_i32 = arith.constant 0 : i32
    %c0_i32_0 = arith.constant 0 : i32
    %c0_i32_1 = arith.constant 0 : i32
    return %c0_i32, %c0_i32_0 : i32, i32
  }
  func.func @transform_7(%arg0: i32, %arg1: i32) -> (i32, i32) {
    %c0_i32 = arith.constant 0 : i32
    %c0_i32_0 = arith.constant 0 : i32
    %c0_i32_1 = arith.constant 0 : i32
    return %c0_i32, %c0_i32_0 : i32, i32
  }
  func.func @transform_8(%arg0: i32, %arg1: i32) -> (i32, i32) {
    %c0_i32 = arith.constant 0 : i32
    %c0_i32_0 = arith.constant 0 : i32
    %c0_i32_1 = arith.constant 0 : i32
    return %c0_i32, %c0_i32_0 : i32, i32
  }
  func.func @transform_9(%arg0: i32, %arg1: i32) -> (i32, i32) {
    %c0_i32 = arith.constant 0 : i32
    %c0_i32_0 = arith.constant 0 : i32
    %c0_i32_1 = arith.constant 0 : i32
    return %c0_i32, %c0_i32_0 : i32, i32
  }
  func.func @transform_10(%arg0: i32, %arg1: i32) -> (i32, i32, i32) {
    %c0_i32 = arith.constant 0 : i32
    %c0_i32_0 = arith.constant 0 : i32
    return %arg0, %arg1, %c0_i32 : i32, i32, i32
  }
}

module attributes {stable_mosaic.version = 14 : i64} {
  func.func @_mlp3_body(%arg0: memref<1024x261xf32, #tpu.memory_space<vmem>>, %arg1: memref<261x256xf32, #tpu.memory_space<vmem>>, %arg2: memref<1x256xf32, #tpu.memory_space<vmem>>, %arg3: memref<256x512xf32, #tpu.memory_space<vmem>>, %arg4: memref<1x512xf32, #tpu.memory_space<vmem>>, %arg5: memref<512x1024xf32, #tpu.memory_space<vmem>>, %arg6: memref<1x1024xf32, #tpu.memory_space<vmem>>, %arg7: memref<8x1024xf32, #tpu.memory_space<vmem>>) attributes {dimension_semantics = [], scalar_prefetch = 0 : i64, scratch_operands = 0 : i64, tpu.core_type = #tpu.core_type<tc>} {
    %get3A = arith.constant 0 : index
    %get3A_0 = arith.constant 0 : index
    %get3A_1 = vector.load %arg0[%get3A, %get3A_0] : memref<1024x261xf32, #tpu.memory_space<vmem>>, vector<1024x261xf32>
    %get3A_2 = arith.constant 0 : index
    %get3A_3 = arith.constant 0 : index
    %get3A_4 = vector.load %arg1[%get3A_2, %get3A_3] : memref<261x256xf32, #tpu.memory_space<vmem>>, vector<261x256xf32>
    %dot_general3A = arith.constant dense<0.000000e+00> : vector<1024x256xf32>
    %dot_general3A_5 = tpu.matmul %get3A_1, %get3A_4, %dot_general3A {dimension_numbers = #tpu.dot_dimension_numbers<[1], [0], [0], [1], [0, 0, 1, 1], [], []>, transpose_lhs_hint = false} : vector<1024x261xf32>, vector<261x256xf32>, vector<1024x256xf32> -> vector<1024x256xf32>
    %get3A_6 = arith.constant 0 : index
    %get3A_7 = arith.constant 0 : index
    %get3A_8 = vector.load %arg2[%get3A_6, %get3A_7] : memref<1x256xf32, #tpu.memory_space<vmem>>, vector<1x256xf32>
    %add3A = vector.broadcast %get3A_8 : vector<1x256xf32> to vector<1024x256xf32>
    %add3A_9 = arith.addf %dot_general3A_5, %add3A : vector<1024x256xf32>
    %max3A = arith.constant 0.000000e+00 : f32
    %max3A_10 = vector.broadcast %max3A : f32 to vector<1024x256xf32>
    %max3A_11 = arith.maximumf %add3A_9, %max3A_10 : vector<1024x256xf32>
    %get3A_12 = arith.constant 0 : index
    %get3A_13 = arith.constant 0 : index
    %get3A_14 = vector.load %arg3[%get3A_12, %get3A_13] : memref<256x512xf32, #tpu.memory_space<vmem>>, vector<256x512xf32>
    %dot_general3A_15 = arith.constant dense<0.000000e+00> : vector<1024x512xf32>
    %dot_general3A_16 = tpu.matmul %max3A_11, %get3A_14, %dot_general3A_15 {dimension_numbers = #tpu.dot_dimension_numbers<[1], [0], [0], [1], [0, 0, 1, 1], [], []>, transpose_lhs_hint = false} : vector<1024x256xf32>, vector<256x512xf32>, vector<1024x512xf32> -> vector<1024x512xf32>
    %get3A_17 = arith.constant 0 : index
    %get3A_18 = arith.constant 0 : index
    %get3A_19 = vector.load %arg4[%get3A_17, %get3A_18] : memref<1x512xf32, #tpu.memory_space<vmem>>, vector<1x512xf32>
    %add3A_20 = vector.broadcast %get3A_19 : vector<1x512xf32> to vector<1024x512xf32>
    %add3A_21 = arith.addf %dot_general3A_16, %add3A_20 : vector<1024x512xf32>
    %max3A_22 = arith.constant 0.000000e+00 : f32
    %max3A_23 = vector.broadcast %max3A_22 : f32 to vector<1024x512xf32>
    %max3A_24 = arith.maximumf %add3A_21, %max3A_23 : vector<1024x512xf32>
    %get3A_25 = arith.constant 0 : index
    %get3A_26 = arith.constant 0 : index
    %get3A_27 = vector.load %arg5[%get3A_25, %get3A_26] : memref<512x1024xf32, #tpu.memory_space<vmem>>, vector<512x1024xf32>
    %dot_general3A_28 = arith.constant dense<0.000000e+00> : vector<1024x1024xf32>
    %dot_general3A_29 = tpu.matmul %max3A_24, %get3A_27, %dot_general3A_28 {dimension_numbers = #tpu.dot_dimension_numbers<[1], [0], [0], [1], [0, 0, 1, 1], [], []>, transpose_lhs_hint = false} : vector<1024x512xf32>, vector<512x1024xf32>, vector<1024x1024xf32> -> vector<1024x1024xf32>
    %get3A_30 = arith.constant 0 : index
    %get3A_31 = arith.constant 0 : index
    %get3A_32 = vector.load %arg6[%get3A_30, %get3A_31] : memref<1x1024xf32, #tpu.memory_space<vmem>>, vector<1x1024xf32>
    %add3A_33 = vector.broadcast %get3A_32 : vector<1x1024xf32> to vector<1024x1024xf32>
    %add3A_34 = arith.addf %dot_general3A_29, %add3A_33 : vector<1024x1024xf32>
    %max3A_35 = arith.constant 0.000000e+00 : f32
    %max3A_36 = vector.broadcast %max3A_35 : f32 to vector<1024x1024xf32>
    %max3A_37 = arith.maximumf %add3A_34, %max3A_36 : vector<1024x1024xf32>
    %reshape3A = vector.shape_cast %max3A_37 : vector<1024x1024xf32> to vector<8x128x1024xf32>
    %reduce_max3A = arith.constant dense<0xFF800000> : vector<8x1024xf32>
    %reduce_max3A_38 = vector.multi_reduction <maximumf>, %reshape3A, %reduce_max3A [1] : vector<8x128x1024xf32> to vector<8x1024xf32>
    %swap3A = arith.constant 0 : index
    %swap3A_39 = arith.constant 0 : index
    %swap3A_40 = vector.load %arg7[%swap3A, %swap3A_39] : memref<8x1024xf32, #tpu.memory_space<vmem>>, vector<8x1024xf32>
    tpu.vector_store %arg7[%swap3A, %swap3A_39], %reduce_max3A_38 {strides = array<i32>} : memref<8x1024xf32, #tpu.memory_space<vmem>>, vector<8x1024xf32>,
    return
  }
}

</mosaic_0001>

<sc_bundles>
// kernel: kernel.10.cloned.1.call-start
scs
__scs_entry_jumppad:
0x0: {  	(pc) =	sbr.rel $0x88, $3  }
0x1: {  	(tag) =	ssettag $0x0;
	lr =	simm.s32 $0x1  }
0x2: {  	[smem:$0x3F8E] =	sst lr;
	_ =	strace $0xD0000000  }
0x3: {  	_ = 	snop  }
0x4: {  	_ = 	snop  }
0x5: {  	_ = 	snop  }
0x6: {  	_ = 	snop  }
0x7: {  	_ = 	snop  }
__scs_overlays_trampoline_lowered:
0x8: {  	[smem:$0x3F9D] =	sst s0  }
0x9: {  	[smem:$0x3F9E] =	sst s1  }
0xa: {  	[smem:$0x3F9F] =	sst s2  }
0xb: {  	[smem:$0x3FA0] =	sst s3  }
0xc: {  	[smem:$0x3FA1] =	sst s4  }
0xd: {  	[smem:$0x3FA2] =	sst s5  }
0xe: {  	[smem:$0x3FA3] =	sst s6  }
0xf: {  	[smem:$0x3FA4] =	sst s7  }
0x10: {  	[smem:$0x3FA5] =	sst s8  }
0x11: {  	[smem:$0x3FA6] =	sst s9;
	s0 =	simm.s32 @!p0 $0x0  }
0x12: {  	s1 =	sld [smem:$0x3F8C];
	s0 =	simm.s32 @p0 $0x1  }
0x13: {  	[smem:$0x3FA7] =	sst s0;
	s0 =	simm.s32 @!p1 $0x0  }
0x14: {  	s2 =	sld [smem:$0x3F8B];
	s0 =	simm.s32 @p1 $0x1  }
0x15: {  	[smem:$0x3FA8] =	sst s0;
	s0 =	simm.s32 @!p2 $0x0  }
0x16: {  	s3 =	sld [smem:$0x3FDB];
	s0 =	simm.s32 @p2 $0x1  }
0x17: {  	s4 =	simm.s32 $0x1BF5;
	[smem:$0x3FAA] =	sst s0  }
0x18: {  	s0 =	sld [smem:$0x3F8D];
	_ =	swait.ge [sflag:s4], $0x0  }
0x19: {  	s7 =	sld [smem:$0x3F8E]  }
0x1a: {  	s8 =	sadd.s32 $0xFFFFE003, lr  }
0x1b: {  	s9 =	sadd.s32 $0xFFFFFEF7, lr;
	s5 =	simm.s32 $0xFFFFFFFF;
	p2 =	slt.u32 s8, $0xFFFFF086  }
0x1c: {  	p1 =	slt.u32 s9, $0xF7A;
	s5 =	simm.s32 @!p2 $0x0  }
0x1d: {  	s5 =	simm.s32 @p1 $0x1;
	p0 =	seq.s32 s7, s2  }
0x1e: {  	s7 =	smul.u32 @!p0 $0xF7A, s2;
	p2 =	seq.s32 @!p0 s5, $0x0  }
0x1f: {  	s9 =	smul.u32 $0xF7A, s1;
	s8 =	simm.s32 @!p0 $0x1BF5;
	p2 =	por !p2, p0  }
0x20: {  	[sflag:s8] =	ssyncset.s32 @!p0 $0xFFFFF086;
	s6 =	sadd.s32 @!p0 s3, s7;
	s7 =	simm.s32 @!p0 $0x108  }
0x21: {  	s3 =	sadd.s32 s3, s9;
	s6 =	sadd.s32 @!p0 $0x88, s6;
	s7 =	simm.s32 @p2 $0x1082  }
0x22: {  	[simem:s7], [sflag:s8] =	dma.local @!p0 [hbm:s6], $0xF7A  }
0x23: {  	s9 =	sor.u32 $0xD0000000, s2;
	s6 =	simm.s32 $0x108;
	_ =	swait.ge @!p0 [sflag:s8], $0x0  }
0x24: {  	s3 =	sadd.s32 $0x88, s3;
	s6 =	simm.s32 @!p1 $0x1082;
	[sflag:s4] =	ssyncset.s32 $0xFFFFF086  }
0x25: {  	[simem:s6], [sflag:s4] =	dma.local [hbm:s3], $0xF7A  }
0x26: {  	[smem:$0x3F8E] =	sst s1;
	(tag) =	ssettag s2;
	_ =	strace s9  }
0x27: {  	s1 =	sld [smem:$0x3F9E]  }
0x28: {  	s2 =	sld [smem:$0x3F9F]  }
0x29: {  	s4 =	sld [smem:$0x3FA1]  }
0x2a: {  	p0 =	seq.s32 s5, $0x0;
	s5 =	sld [smem:$0x3FA2]  }
0x2b: {  	s6 =	sld [smem:$0x3FA3]  }
0x2c: {  	s7 =	sld [smem:$0x3FA4]  }
0x2d: {  	s3 =	simm.s32 $0x108;
	s8 =	sld [smem:$0x3FA5]  }
0x2e: {  	s3 =	simm.s32 @!p0 $0x1082;
	s9 =	sld [smem:$0x3FA6]  }
0x2f: {  	lr =	sadd.s32 s0, s3;
	s0 =	sld [smem:$0x3F9D]  }
0x30: {  	s3 =	sld [smem:$0x3FA0]  }
0x31: {  	[smem:$0x3FA9] =	sst s10  }
0x32: {  	s10 =	sld [smem:$0x3FA7];
	_ =	sdelay $0x3  }
0x33: {  	p0 =	seq.s32 s10, $0x1;
	s10 =	sld [smem:$0x3FA9];
	_ =	sdelay $0x3  }
0x34: {  	[smem:$0x3FA9] =	sst s10  }
0x35: {  	s10 =	sld [smem:$0x3FA8];
	_ =	sdelay $0x3  }
0x36: {  	p1 =	seq.s32 s10, $0x1;
	s10 =	sld [smem:$0x3FA9];
	_ =	sdelay $0x3  }
0x37: {  	[smem:$0x3FA9] =	sst s10  }
0x38: {  	s10 =	sld [smem:$0x3FAA]  }
0x39: {  	_ = 	snop;
	(pc) =	sbr.ind lr, $3  }
0x3a: {  	_ = 	snop  }
0x3b: {  	_ = 	snop  }
0x3c: {  	p2 =	seq.s32 s10, $0x1;
	s10 =	sld [smem:$0x3FA9]  }
0x3d: {  	_ =	shalt  }
0x3e: {  	_ =	shalt  }
0x3f: {  	_ =	shalt  }
0x40: {  	_ =	shalt  }
0x41: {  	_ =	shalt  }
0x42: {  	_ =	shalt  }
0x43: {  	_ =	shalt  }
0x44: {  	_ =	shalt  }
0x45: {  	_ =	shalt  }
0x46: {  	_ =	shalt  }
0x47: {  	_ =	shalt  }
0x48: {  	_ =	shalt  }
0x49: {  	_ =	shalt  }
0x4a: {  	_ =	shalt  }
0x4b: {  	_ =	shalt  }
0x4c: {  	_ =	shalt  }
0x4d: {  	_ =	shalt  }
0x4e: {  	_ =	shalt  }
0x4f: {  	_ =	shalt  }
0x50: {  	_ =	shalt  }
0x51: {  	_ =	shalt  }
0x52: {  	_ =	shalt  }
0x53: {  	_ =	shalt  }
0x54: {  	_ =	shalt  }
0x55: {  	_ =	shalt  }
0x56: {  	_ =	shalt  }
0x57: {  	_ =	shalt  }
0x58: {  	_ =	shalt  }
0x59: {  	_ =	shalt  }
0x5a: {  	_ =	shalt  }
0x5b: {  	_ =	shalt  }
0x5c: {  	_ =	shalt  }
0x5d: {  	_ =	shalt  }
0x5e: {  	_ =	shalt  }
0x5f: {  	_ =	shalt  }
0x60: {  	_ =	shalt  }
0x61: {  	_ =	shalt  }
0x62: {  	_ =	shalt  }
0x63: {  	_ =	shalt  }
0x64: {  	_ =	shalt  }
0x65: {  	_ =	shalt  }
0x66: {  	_ =	shalt  }
0x67: {  	_ =	shalt  }
0x68: {  	_ =	shalt  }
0x69: {  	_ =	shalt  }
0x6a: {  	_ =	shalt  }
0x6b: {  	_ =	shalt  }
0x6c: {  	_ =	shalt  }
0x6d: {  	_ =	shalt  }
0x6e: {  	_ =	shalt  }
0x6f: {  	_ =	shalt  }
0x70: {  	_ =	shalt  }
0x71: {  	_ =	shalt  }
0x72: {  	_ =	shalt  }
0x73: {  	_ =	shalt  }
0x74: {  	_ =	shalt  }
0x75: {  	_ =	shalt  }
0x76: {  	_ =	shalt  }
0x77: {  	_ =	shalt  }
0x78: {  	_ =	shalt  }
0x79: {  	_ =	shalt  }
0x7a: {  	_ =	shalt  }
0x7b: {  	_ =	shalt  }
0x7c: {  	_ =	shalt  }
0x7d: {  	_ =	shalt  }
0x7e: {  	_ =	shalt  }
0x7f: {  	_ =	shalt  }
0x80: {  	_ =	shalt  }
0x81: {  	_ =	shalt  }
0x82: {  	_ =	shalt  }
0x83: {  	_ =	shalt  }
0x84: {  	_ =	shalt  }
0x85: {  	_ =	shalt  }
0x86: {  	_ =	shalt  }
0x87: {  	_ =	shalt  }
.Lfunc_end0:
.L_simem_size_0:
called_computation_lowered:
.L_overlay_start_0:
0x88: {  	s2 =	sld [smem:$0x3FD9]  }
0x89: {  	s3 =	sld [smem:$0x3FFE];
	_ =	sdelay $0x1  }
0x8a: {  	s1 =	srdreg.scid  }
0x8b: {  	s0 =	sand.u32 $0x1, s1  }
0x8c: {  	s14 =	sshll.u32 s0, $0xA;
	s2 =	sadd.s32 s3, s2  }
0x8d: {  	s2 =	sadd.s32 s2, s14  }
0x8e: {  	[smem:$0x3FB5] =	sst s2  }
0x8f: {  	_ = 	snop  }
0x90: {  	s2 =	sld [smem:$0x3FD0];
	_ =	sdelay $0x2  }
0x91: {  	s15 =	simm.s32 $0xA;
	s4 =	simm.s32 $0x10  }
0x92: {  	[smem:s4], [sflag:s15] =	dma.local [hbm:s2], $0x1  }
0x93: {  	_ =	swait.eq [sflag:s15], $0x1  }
0x94: {  	[sflag:s15] =	ssyncset.done $0x0  }
0x95: {  	[sflag:s15] =	ssyncadd.s32 $0xFFFFFFFF  }
0x96: {  	s16 =	sld [smem:$0x11];
	(tm) =	ssettm $0x1  }
0x97: {  	s17 =	sld [smem:$0x3FFB];
	_ =	sdelay $0x3  }
0x98: {  	_ =	strace s17  }
0x99: {  	s3 =	sld [smem:$0x3FFC];
	_ =	sdelay $0x3  }
0x9a: {  	_ =	strace s3  }
0x9b: {  	s3 =	sld [smem:$0x3FFD];
	_ =	sdelay $0x3  }
0x9c: {  	_ =	strace s3  }
0x9d: {  	_ =	strace $0x8FFFFFFF  }
0x9e: {  	s18 =	sld [smem:$0x3FDB];
	_ =	sdelay $0x1  }
0x9f: {  	s19 =	simm.s32 $_scs_section_size  }
0xa0: {  	s5 =	simm.s32 $_size__tile_overlayer_lowered;
	s6 =	simm.s32 $_tile_overlayer_lowered  }
0xa1: {  	s22 =	simm.s32 $0x1BFF;
	s21 =	sshll.u32 s6, $0x1;
	s3 =	sadd.s32 s19, s18  }
0xa2: {  	s7 =	simm.s32 $0x0;
	s20 =	sshll.u32 s5, $0x1;
	s5 =	sadd.s32 s21, s3  }
0xa3: {  	[timem:s7], [sflag:s22] =	dma.local [hbm:s5], s20  }
0xa4: {  	_ =	swait.ge [sflag:s22], s20  }
0xa5: {  	s4 =	ssub.s32 $0x0, s20;
	[sflag:s22] =	ssyncset.done $0x0  }
0xa6: {  	[sflag:s22] =	ssyncadd.s32 s4;
	_ =	sdelay $0x1  }
0xa7: {  	s23 =	simm.s32 $0x1B8B  }
0xa8: {  	_ =	swait.ge [sflag:s23], $0x1  }
0xa9: {  	[sflag:s23] =	ssyncset.done $0x0  }
0xaa: {  	s25 =	simm.s32 $0x1B8E;
	s24 =	sld [smem:$0x3FFE];
	[sflag:s23] =	ssyncadd.s32 $0xFFFFFFFF  }
0xab: {  	s26 =	simm.s32 $execute0_lowered;
	[smem:$0x3FD2] =	sst s25  }
0xac: {  	s5 =	sshll.u32 s26, $0x1;
	_ =	strace $0x80000046;
	[dreg:$0x1] =	wrdreg $0xFFFFFFFF  }
0xad: {  	s28 =	simm.s32 $_size_execute0_lowered;
	s3 =	sadd.s32 s3, s5;
	[dreg:$0x0] =	wrdreg $0x0  }
0xae: {  	s5 =	sshll.u32 s28, $0x1;
	[dreg:$0x2] =	wrdreg s3  }
0xaf: {  	[dreg:$0x3] =	wrdreg s5  }
0xb0: {  	[dreg:$0x4] =	wrdreg $0xC0  }
0xb1: {  	_ =	task [dreg:s7], $0x5FFFF  }
0xb2: {  	[dreg:$0x1] =	wrdreg $0xFFFFFFFF  }
0xb3: {  	[dreg:$0x0] =	wrdreg $0x60  }
0xb4: {  	[dreg:$0x2] =	wrdreg s24  }
0xb5: {  	[dreg:$0x3] =	wrdreg s16  }
0xb6: {  	[dreg:$0x4] =	wrdreg $0x9  }
0xb7: {  	_ =	task.clear_ibuf [dreg:s7], $0x5FFFF;
	_ =	strace $0x90000046  }
0xb8: {  	s29 =	simm.s32 $0x9;
	_ =	strace $0x80000048  }
0xb9: {  	_ =	swait.ge [sflag:s29], $0x1  }
0xba: {  	[sflag:s29] =	ssyncadd.s32 $0xFFFFFFFF  }
0xbb: {  	_ =	strace $0x90000048  }
0xbc: {  	_ =	sfence  }
0xbd: {  	s30 =	sld [smem:$0x0];
	_ =	sdelay $0x2  }
0xbe: {  	s31 =	sshll.u32 s1, $0xD;
	s1 =	sshrl.u32 s1, $0x2  }
0xbf: {  	s3 =	sand.u32 $0x4000, s31;
	s1 =	sadd.s32 s1, s30  }
0xc0: {  	s0 =	sor.u32 s3, s0;
	s1 =	sshll.u32 s1, $0x11  }
0xc1: {  	s0 =	sor.u32 s1, s0  }
0xc2: {  	s0 =	sadd.s32 $0x8F2B, s0  }
0xc3: {  	[sflag:s0] =	ssyncadd.remote.s32 $0x1  }
0xc4: {  	_ =	sfence.sel $0xFFFF  }
0xc5: {  	[dreg:$0x0] =	wrdreg $0xFFFFFFFF;
	(pc) =	sbr.abs _section_cstart, $3  }
0xc6: {  	[dreg:$0x1] =	wrdreg $0xFFFFFFFF  }
0xc7: {  	_ =	task.clear_ibuf [dreg:s7], $0x2FFFF;
	_ =	strace $0x9FFFFFFF  }
0xc8: {  	(tm) =	ssettm $0x7FFFFFFF  }
0xc9: {  	_ =	shalt  }
tec
execute0_lowered:
.L_overlay_start_1:
0x0: {  	(tag) =	ssettag $0x1  }
0x1: {  	s4 =	rddreg [dreg:$0x0]  }
0x2: {  	s5 =	rddreg [dreg:$0x1]  }
0x3: {  	s0 =	rddreg [dreg:$0x2];
	s2 =	simm.s32 $0x0;
	s1 =	stileid.u32  }
0x4: {  	s6 =	srdreg.scid;
	s11 =	simm.s32 $0x0;
	[smem:$0x7FF] =	sst s2  }
0x5: {  	s3 =	sadd.s32 $0x2C00, s4;
	s7 =	sshll.u32 s1, $0x11;
	s6 =	sand.u32 $0x1, s6  }
0x6: {  	s9 =	sshll.u32 s1, $0xD;
	_ =	strace $0x80000047;
	s8 =	ssub.s32 $0x2, s6  }
0x7: {  	s10 =	sshll.u32 s6, $0xC;
	s7 =	sadd.s32 s7, s4;
	s6 =	sshll.u32 s6, $0x10  }
0x8: {  	s30 =	sshrl.u32 s8, $0x1;
	s9 =	sor.u32 s10, s9;
	s6 =	sadd.s32 s6, s7  }
0x9: {  	s7 =	simm.s32 $0x2;
	s10 =	simm.s32 $0x1;
	s8 =	ssub.s32 s8, s30  }
0xa: {  	s31 =	sshrl.u32 s9, $0x3;
	s6 =	sadd.s32 $0x42C00, s6;
	s9 =	simm.s32 $0x1000  }
0xb: {  	s4 =	sadd.s32 s5, s31;
	s5 =	smax.u32 s8, $0x1;
	s8 =	simm.s32 $0x80  }
.LBB2_1:
0xc: {  	[tilespmem:s2], [sflag:$0x2] =	stream.linear.gather [hbm4b:s4+s2], $0x1000, $0x38;
	[tilespmem:$0x5000] =	vst v63  }
0xd: {  	_ =	swait.ge [sflag:s7], $0x1000  }
0xe: {  	[sflag:s7] =	ssyncset.done $0x0  }
0xf: {  	s12 =	simm.s32 $0x0;
	[sflag:s7] =	ssyncadd.s32 $0xFFFFF000  }
0x10: {  	[tilespmem:s9], [sflag:$0x1] =	stream.indirect.gather [hbm4b:s3+s8], $0x80, s12, s8, $0xb8;
	[tilespmem:$0x5000] =	vst v63  }
0x11: {  	_ =	swait.ge [sflag:s10], $0x4000  }
0x12: {  	[sflag:s10] =	ssyncset.done $0x0  }
0x13: {  	[sflag:s10] =	ssyncadd.s32 $0xFFFFC000  }
0x14: {  	[hbm4b:s6+s2] =	stream.linear.scatter [tilespmem:s9], [sflag:$0x2], $0x4000, $0x38;
	[tilespmem:$0x5000] =	vst v63  }
0x15: {  	s13 =	simm.s32 $0x200;
	_ =	swait.ge [sflag:s7], $0x4000  }
0x16: {  	s14 =	simm.s32 $0x400;
	s12 =	sadd.s32 $0x800, s6;
	[sflag:s7] =	ssyncset.done $0x0  }
.LBB2_2:
0x17: {  	s15 =	sshra.s32 s13, $0x2  }
0x18: {  	[sflag:s7] =	ssyncadd.s32 $0xFFFFC000;
	s13 =	smov.u32 s14;
	s16 =	sadd.s32 $0x200, s14  }
0x19: {  	[tilespmem:s9], [sflag:$0x1] =	stream.indirect.gather [hbm4b:s3+s8], $0x80, s15, s8, $0xb8;
	[tilespmem:$0x5000] =	vst v63  }
0x1a: {  	p0 =	sne.s32 s14, $0x3E00;
	_ =	swait.ge [sflag:s10], $0x4000  }
.Ltmp0:
0x1b: {  	[sflag:s10] =	ssyncset.done $0x0;
	(pc) =	sbr.rel @p0 .LBB2_2-.Ltmp0, $4  }
0x1c: {  	[sflag:s10] =	ssyncadd.s32 $0xFFFFC000  }
0x1d: {  	[hbm4b:s12+s2] =	stream.linear.scatter [tilespmem:s9], [sflag:$0x2], $0x4000, $0x38;
	[tilespmem:$0x5000] =	vst v63  }
0x1e: {  	_ =	swait.ge [sflag:s7], $0x4000  }
0x1f: {  	s14 =	smov.u32 s16;
	s12 =	sadd.s32 $0x800, s12;
	[sflag:s7] =	ssyncset.done $0x0  }
0x20: {  	s13 =	sshra.s32 s13, $0x2;
	[sflag:s7] =	ssyncadd.s32 $0xFFFFC000  }
0x21: {  	[tilespmem:s9], [sflag:$0x1] =	stream.indirect.gather [hbm4b:s3+s8], $0x80, s13, s8, $0xb8;
	[tilespmem:$0x5000] =	vst v63  }
0x22: {  	s11 =	sadd.s32 $0x1, s11;
	_ =	swait.ge [sflag:s10], $0x4000  }
0x23: {  	p0 =	sne.s32 s11, s5;
	[sflag:s10] =	ssyncset.done $0x0  }
.Ltmp1:
0x24: {  	[sflag:s10] =	ssyncadd.s32 $0xFFFFC000;
	(pc) =	sbr.rel @p0 .LBB2_1-.Ltmp1, $4  }
0x25: {  	[hbm4b:s12+s2] =	stream.linear.scatter [tilespmem:s9], [sflag:$0x2], $0x4000, $0x38;
	[tilespmem:$0x5000] =	vst v63  }
0x26: {  	_ =	swait.ge [sflag:s7], $0x4000  }
0x27: {  	[sflag:s7] =	ssyncset.done $0x0  }
0x28: {  	[sflag:s7] =	ssyncadd.s32 $0xFFFFC000  }
0x29: {  	_ =	sfence.sel $0x180000  }
0x2a: {  	[bflag:$0x0] =	sbarrier.arrive $0xFFFF  }
0x2b: {  	p0 =	sne.s32 s1, $0x0;
	_ =	strace $0x90000047  }
0x2c: {  	s0 =	sadd.s32 @!p0 $0x100000, s0;
	[bflag:$0x2] =	sbarrier.arrive $0xFFFF  }
0x2d: {  	[sflag:s0] =	ssyncadd.tile.s32 @!p0 $0x1;
	_ =	shalt  }
.Lfunc_end2:
_tile_overlayer_lowered:
.L_overlay_start_2:
0x2e: {  	(tag) =	ssettag $0x2  }
0x2f: {  	s0 =	rddreg [dreg:$0x0];
	s2 =	stileid.u32  }
0x30: {  	s1 =	rddreg [dreg:$0x1];
	p0 =	sne.s32 s2, $0x0  }
0x31: {  	s3 =	rddreg [dreg:$0x2];
	[bflag:$0x3] =	sbarrier.arrive $0xFFFF;
	s2 =	simm.s32 @!p0 $0x1C02  }
0x32: {  	[timem:s3], [sflag:s2] =	dma.local @!p0 [hbm:s0], s1  }
0x33: {  	s0 =	simm.s32 @!p0 $0x2  }
0x34: {  	_ =	swait.ge @!p0 [sflag:s0], s1  }
0x35: {  	s1 =	ssub.s32 @!p0 $0x0, s1;
	[sflag:s0] =	ssyncset.done @!p0 $0x0  }
0x36: {  	[sflag:s0] =	ssyncadd.s32 @!p0 s1  }
0x37: {  	[bflag:$0x3] =	sbarrier.arrive $0xFFFF  }
0x38: {  	_ =	shalt  }

</sc_bundles>
